<compile_context>
chip_gen: v7x
topology: tpu7x:2x2x1
jax: 0.10.2.dev20260603
libtpu: 0.0.44.dev20260713+nightly
codegen_flags: <defaults>
</compile_context>

<pallas_src>
import functools

import jax
import jax.numpy as jnp
from jax import lax
from jax.experimental import pallas as pl
from jax.experimental.pallas import tpu as pltpu
from jax.experimental.pallas import tpu_sc as plsc

D_MODEL = 1024
N_TOK = 32768
NC = 2
NS = 16
NW = NC * NS
PER_W = N_TOK // NW
C = 8
NCHUNK = PER_W // C
NB = 8
NITER = NCHUNK // NB
GA = 6

_mesh = plsc.VectorSubcoreMesh(core_axis_name="c", subcore_axis_name="s")


@functools.partial(
    pl.kernel,
    mesh=_mesh,
    out_type=jax.ShapeDtypeStruct((N_TOK, D_MODEL), jnp.float32),
    scratch_types=[
        pltpu.VMEM((PER_W,), jnp.int32),
        *[pltpu.VMEM((C, D_MODEL), jnp.float32) for _ in range(NB)],
        *[pltpu.SemaphoreType.DMA for _ in range(2 * NB)],
    ],
)
def _pe_gather(tp_hbm, pe_hbm, out_hbm, idx_v, *rest):
    bufs = rest[:NB]
    gs = rest[NB:2 * NB]
    ss = rest[2 * NB:3 * NB]
    wid = lax.axis_index("s") * NC + lax.axis_index("c")
    row0 = wid * PER_W
    wpb = tp_hbm.shape[1] // PER_W
    pltpu.sync_copy(
        tp_hbm.at[wid // wpb, pl.ds((wid % wpb) * PER_W, PER_W)], idx_v)

    def gather(j, b):
        return pltpu.make_async_copy(
            pe_hbm.at[idx_v.at[pl.ds(j * C, C)]], bufs[b], gs[b])

    def store(j, b):
        return pltpu.make_async_copy(
            bufs[b], out_hbm.at[pl.ds(row0 + j * C, C)], ss[b])

    for j in range(GA):
        gather(j, j % NB).start()

    def body(i, carry):
        for b in range(NB):
            j = i * NB + b
            b2 = (b + GA) % NB

            @pl.when(jnp.logical_and(j + GA >= NB, j + GA < NCHUNK))
            def _():
                store(j + GA - NB, b2).wait()

            @pl.when(j + GA < NCHUNK)
            def _():
                gather(j + GA, b2).start()

            gather(j, b).wait()
            store(j, b).start()
        return carry

    lax.fori_loop(0, NITER, body, 0)
    for b in range(NB):
        store(NCHUNK - NB + b, b).wait()


def kernel(token_positions, pe):
    tp = jnp.asarray(token_positions, jnp.int32)
    out = _pe_gather(tp, pe)
    return out.reshape(token_positions.shape + (D_MODEL,))

# --- scband reference (transcript-rebuilt; emitter-appended) ---
"""Pipeline reference for scband-sinusoidal-positional-encoding-8727373545562 (READ-ONLY COPY).

The authoritative reference and input builder live on the scoring server;
editing this copy changes nothing except your own understanding.
"""

import jax, jax.numpy as jnp
import numpy as np
import math

D_MODEL = 1024
MAX_SEQ_LEN = 32768

def _build_pe(max_seq_len, d_model):
    positions = jnp.arange(max_seq_len, dtype=jnp.float32)[:, None]
    i = jnp.arange(0, d_model, 2, dtype=jnp.float32)
    div_term = jnp.exp(-math.log(10000.0) * i / d_model)
    pe = jnp.zeros((max_seq_len, d_model), dtype=jnp.float32)
    pe = pe.at[:, 0::2].set(jnp.sin(positions * div_term))
    pe = pe.at[:, 1::2].set(jnp.cos(positions * div_term))
    return pe

def setup_inputs(seed: int = 0) -> dict:
    key = jax.random.key(seed)
    token_positions = jax.random.randint(key, (4, 8192), 0, MAX_SEQ_LEN, dtype=jnp.int64 if jax.config.jax_enable_x64 else jnp.int32)
    pe = _build_pe(MAX_SEQ_LEN, D_MODEL)
    return {"token_positions": token_positions, "pe": pe}

def reference(token_positions, pe):
    # Faithful translation of SinusoidalPositionalEncoding.forward: pe[token_positions]
    return jnp.take(pe, token_positions, axis=0)

if __name__ == "__main__":
    import jax
    _d = setup_inputs()
    print(jax.jit(kernel)(*tuple(_d.values())))

</pallas_src>

<mosaic_0001>
#map = affine_map<(d0, d1) -> (0, 0)>
module attributes {stable_mosaic.version = 14 : i64} {
  func.func @_pe_gather(%arg0: i32, %arg1: i32, %arg2: memref<4x8192xi32, #tpu.memory_space<hbm>>, %arg3: memref<32768x1024xf32, #tpu.memory_space<hbm>>, %arg4: memref<32768x1024xf32, #tpu.memory_space<hbm>>, %arg5: memref<1024xi32, #tpu.memory_space<vmem>>, %arg6: memref<8x1024xf32, #tpu.memory_space<vmem>>, %arg7: memref<8x1024xf32, #tpu.memory_space<vmem>>, %arg8: memref<8x1024xf32, #tpu.memory_space<vmem>>, %arg9: memref<8x1024xf32, #tpu.memory_space<vmem>>, %arg10: memref<8x1024xf32, #tpu.memory_space<vmem>>, %arg11: memref<8x1024xf32, #tpu.memory_space<vmem>>, %arg12: memref<8x1024xf32, #tpu.memory_space<vmem>>, %arg13: memref<8x1024xf32, #tpu.memory_space<vmem>>, %arg14: memref<!tpu.dma_semaphore, #tpu.memory_space<semaphore_mem>>, %arg15: memref<!tpu.dma_semaphore, #tpu.memory_space<semaphore_mem>>, %arg16: memref<!tpu.dma_semaphore, #tpu.memory_space<semaphore_mem>>, %arg17: memref<!tpu.dma_semaphore, #tpu.memory_space<semaphore_mem>>, %arg18: memref<!tpu.dma_semaphore, #tpu.memory_space<semaphore_mem>>, %arg19: memref<!tpu.dma_semaphore, #tpu.memory_space<semaphore_mem>>, %arg20: memref<!tpu.dma_semaphore, #tpu.memory_space<semaphore_mem>>, %arg21: memref<!tpu.dma_semaphore, #tpu.memory_space<semaphore_mem>>, %arg22: memref<!tpu.dma_semaphore, #tpu.memory_space<semaphore_mem>>, %arg23: memref<!tpu.dma_semaphore, #tpu.memory_space<semaphore_mem>>, %arg24: memref<!tpu.dma_semaphore, #tpu.memory_space<semaphore_mem>>, %arg25: memref<!tpu.dma_semaphore, #tpu.memory_space<semaphore_mem>>, %arg26: memref<!tpu.dma_semaphore, #tpu.memory_space<semaphore_mem>>, %arg27: memref<!tpu.dma_semaphore, #tpu.memory_space<semaphore_mem>>, %arg28: memref<!tpu.dma_semaphore, #tpu.memory_space<semaphore_mem>>, %arg29: memref<!tpu.dma_semaphore, #tpu.memory_space<semaphore_mem>>) attributes {dimension_semantics = [#tpu.dimension_semantics<core_parallel>, #tpu.dimension_semantics<subcore_parallel>], iteration_bounds = array<i64: 2, 16>, scalar_prefetch = 0 : i64, scratch_operands = 25 : i64, tpu.core_type = #tpu.core_type<sc_vector_subcore>, window_params = [{transform_indices = #map}, {transform_indices = #map}, {transform_indices = #map}]} {
    %mul3A = arith.constant 2 : i32
    %mul3A_0 = arith.muli %arg1, %mul3A : i32
    %add3A = arith.addi %mul3A_0, %arg0 : i32
    %mul3A_1 = arith.constant 1024 : i32
    %mul3A_2 = arith.muli %add3A, %mul3A_1 : i32
    %jit3A = arith.constant 8 : i32
    %div3A = arith.divsi %add3A, %jit3A : i32
    %sign3A = arith.constant 0 : i32
    %sign3A_3 = arith.cmpi sgt, %add3A, %sign3A : i32
    %sign3A_4 = arith.extui %sign3A_3 : i1 to i32
    %sign3A_5 = arith.constant 0 : i32
    %sign3A_6 = arith.cmpi slt, %add3A, %sign3A_5 : i32
    %sign3A_7 = arith.extui %sign3A_6 : i1 to i32
    %sign3A_8 = arith.subi %sign3A_4, %sign3A_7 : i32
    %sign3A_9 = arith.constant 0 : i32
    %sign3A_10 = arith.cmpi sgt, %jit3A, %sign3A_9 : i32
    %sign3A_11 = arith.extui %sign3A_10 : i1 to i32
    %sign3A_12 = arith.constant 0 : i32
    %sign3A_13 = arith.cmpi slt, %jit3A, %sign3A_12 : i32
    %sign3A_14 = arith.extui %sign3A_13 : i1 to i32
    %sign3A_15 = arith.subi %sign3A_11, %sign3A_14 : i32
    %ne3A = arith.cmpi ne, %sign3A_8, %sign3A_15 : i32
    %rem3A = arith.remsi %add3A, %jit3A : i32
    %ne3A_16 = arith.constant 0 : i32
    %ne3A_17 = arith.cmpi ne, %rem3A, %ne3A_16 : i32
    %and3A = arith.andi %ne3A, %ne3A_17 : i1
    %sub3A = arith.constant 1 : i32
    %sub3A_18 = arith.subi %div3A, %sub3A : i32
    %select_n3A = arith.select %and3A, %sub3A_18, %div3A : i32
    %jit3A_19 = arith.constant 8 : i32
    %eq3A = arith.constant 0 : i32
    %eq3A_20 = arith.cmpi eq, %jit3A_19, %eq3A : i32
    %jit3A_21 = arith.constant 1 : i32
    %select_n3A_22 = arith.select %eq3A_20, %jit3A_21, %jit3A_19 : i32
    %rem3A_23 = arith.remsi %add3A, %select_n3A_22 : i32
    %ne3A_24 = arith.constant 0 : i32
    %ne3A_25 = arith.cmpi ne, %rem3A_23, %ne3A_24 : i32
    %lt3A = arith.constant 0 : i32
    %lt3A_26 = arith.cmpi slt, %rem3A_23, %lt3A : i32
    %lt3A_27 = arith.constant 0 : i32
    %lt3A_28 = arith.cmpi slt, %select_n3A_22, %lt3A_27 : i32
    %ne3A_29 = arith.xori %lt3A_26, %lt3A_28 : i1
    %and3A_30 = arith.andi %ne3A_29, %ne3A_25 : i1
    %add3A_31 = arith.addi %rem3A_23, %select_n3A_22 : i32
    %select_n3A_32 = arith.select %and3A_30, %add3A_31, %rem3A_23 : i32
    %mul3A_33 = arith.constant 1024 : i32
    %mul3A_34 = arith.muli %select_n3A_32, %mul3A_33 : i32
    "tpu.region"() ({
      %run_scoped3A = tpu.sem_alloc : memref<!tpu.dma_semaphore, #tpu.memory_space<semaphore_mem>>
      %dma_start3A_116 = tpu.memref_slice %arg2[%select_n3A, %mul3A_34] : memref<4x8192xi32, #tpu.memory_space<hbm>> -> memref<1x1024xi32, #tpu.memory_space<hbm>>
      %dma_start3A_117 = tpu.memref_squeeze %dma_start3A_116 : memref<1x1024xi32, #tpu.memory_space<hbm>> -> memref<1024xi32, #tpu.memory_space<hbm>>
      %dma_start3A_118 = tpu.memref_slice %arg2[%select_n3A, %mul3A_34] : memref<4x8192xi32, #tpu.memory_space<hbm>> -> memref<1x1024xi32, #tpu.memory_space<hbm>>
      %dma_start3A_119 = tpu.memref_squeeze %dma_start3A_118 : memref<1x1024xi32, #tpu.memory_space<hbm>> -> memref<1024xi32, #tpu.memory_space<hbm>>
      tpu.enqueue_dma source(%dma_start3A_119 : memref<1024xi32, #tpu.memory_space<hbm>>) target(%arg5 : memref<1024xi32, #tpu.memory_space<vmem>>) target_semaphore(%run_scoped3A : memref<!tpu.dma_semaphore, #tpu.memory_space<semaphore_mem>>)
      %dma_wait3A_120 = tpu.memref_slice %arg2[%select_n3A, %mul3A_34] : memref<4x8192xi32, #tpu.memory_space<hbm>> -> memref<1x1024xi32, #tpu.memory_space<hbm>>
      %dma_wait3A_121 = tpu.memref_squeeze %dma_wait3A_120 : memref<1x1024xi32, #tpu.memory_space<hbm>> -> memref<1024xi32, #tpu.memory_space<hbm>>
      %dma_wait3A_122 = tpu.memref_slice %arg2[%select_n3A, %mul3A_34] : memref<4x8192xi32, #tpu.memory_space<hbm>> -> memref<1x1024xi32, #tpu.memory_space<hbm>>
      %dma_wait3A_123 = tpu.memref_squeeze %dma_wait3A_122 : memref<1x1024xi32, #tpu.memory_space<hbm>> -> memref<1024xi32, #tpu.memory_space<hbm>>
      tpu.wait_dma2 semaphore(%run_scoped3A : memref<!tpu.dma_semaphore, #tpu.memory_space<semaphore_mem>>) src(%dma_wait3A_123 : memref<1024xi32, #tpu.memory_space<hbm>>) dst(%arg5 : memref<1024xi32, #tpu.memory_space<vmem>>)
      tpu.yield
    }) : () -> ()
    %dma_start3A = arith.constant 0 : i32
    %dma_start3A_35 = tpu.memref_slice %arg5[%dma_start3A] : memref<1024xi32, #tpu.memory_space<vmem>> -> memref<8xi32, #tpu.memory_space<vmem>>
    %dma_start3A_36 = arith.constant 0 : i32
    %dma_start3A_37 = arith.constant 0 : i32
    %dma_start3A_38 = tpu.memref_slice %arg3[%dma_start3A_36, %dma_start3A_37] : memref<32768x1024xf32, #tpu.memory_space<hbm>> -> memref<32768x1024xf32, #tpu.memory_space<hbm>>
    tpu.enqueue_indirect_dma source(%dma_start3A_38 : memref<32768x1024xf32, #tpu.memory_space<hbm>>) target(%arg6 : memref<8x1024xf32, #tpu.memory_space<vmem>>) offsets(%dma_start3A_35 : memref<8xi32, #tpu.memory_space<vmem>>) semaphore(%arg14 : memref<!tpu.dma_semaphore, #tpu.memory_space<semaphore_mem>>)
    %dma_start3A_39 = arith.constant 8 : i32
    %dma_start3A_40 = tpu.memref_slice %arg5[%dma_start3A_39] : memref<1024xi32, #tpu.memory_space<vmem>> -> memref<8xi32, #tpu.memory_space<vmem>>
    %dma_start3A_41 = arith.constant 0 : i32
    %dma_start3A_42 = arith.constant 0 : i32
    %dma_start3A_43 = tpu.memref_slice %arg3[%dma_start3A_41, %dma_start3A_42] : memref<32768x1024xf32, #tpu.memory_space<hbm>> -> memref<32768x1024xf32, #tpu.memory_space<hbm>>
    tpu.enqueue_indirect_dma source(%dma_start3A_43 : memref<32768x1024xf32, #tpu.memory_space<hbm>>) target(%arg7 : memref<8x1024xf32, #tpu.memory_space<vmem>>) offsets(%dma_start3A_40 : memref<8xi32, #tpu.memory_space<vmem>>) semaphore(%arg15 : memref<!tpu.dma_semaphore, #tpu.memory_space<semaphore_mem>>)
    %dma_start3A_44 = arith.constant 16 : i32
    %dma_start3A_45 = tpu.memref_slice %arg5[%dma_start3A_44] : memref<1024xi32, #tpu.memory_space<vmem>> -> memref<8xi32, #tpu.memory_space<vmem>>
    %dma_start3A_46 = arith.constant 0 : i32
    %dma_start3A_47 = arith.constant 0 : i32
    %dma_start3A_48 = tpu.memref_slice %arg3[%dma_start3A_46, %dma_start3A_47] : memref<32768x1024xf32, #tpu.memory_space<hbm>> -> memref<32768x1024xf32, #tpu.memory_space<hbm>>
    tpu.enqueue_indirect_dma source(%dma_start3A_48 : memref<32768x1024xf32, #tpu.memory_space<hbm>>) target(%arg8 : memref<8x1024xf32, #tpu.memory_space<vmem>>) offsets(%dma_start3A_45 : memref<8xi32, #tpu.memory_space<vmem>>) semaphore(%arg16 : memref<!tpu.dma_semaphore, #tpu.memory_space<semaphore_mem>>)
    %dma_start3A_49 = arith.constant 24 : i32
    %dma_start3A_50 = tpu.memref_slice %arg5[%dma_start3A_49] : memref<1024xi32, #tpu.memory_space<vmem>> -> memref<8xi32, #tpu.memory_space<vmem>>
    %dma_start3A_51 = arith.constant 0 : i32
    %dma_start3A_52 = arith.constant 0 : i32
    %dma_start3A_53 = tpu.memref_slice %arg3[%dma_start3A_51, %dma_start3A_52] : memref<32768x1024xf32, #tpu.memory_space<hbm>> -> memref<32768x1024xf32, #tpu.memory_space<hbm>>
    tpu.enqueue_indirect_dma source(%dma_start3A_53 : memref<32768x1024xf32, #tpu.memory_space<hbm>>) target(%arg9 : memref<8x1024xf32, #tpu.memory_space<vmem>>) offsets(%dma_start3A_50 : memref<8xi32, #tpu.memory_space<vmem>>) semaphore(%arg17 : memref<!tpu.dma_semaphore, #tpu.memory_space<semaphore_mem>>)
    %dma_start3A_54 = arith.constant 32 : i32
    %dma_start3A_55 = tpu.memref_slice %arg5[%dma_start3A_54] : memref<1024xi32, #tpu.memory_space<vmem>> -> memref<8xi32, #tpu.memory_space<vmem>>
    %dma_start3A_56 = arith.constant 0 : i32
    %dma_start3A_57 = arith.constant 0 : i32
    %dma_start3A_58 = tpu.memref_slice %arg3[%dma_start3A_56, %dma_start3A_57] : memref<32768x1024xf32, #tpu.memory_space<hbm>> -> memref<32768x1024xf32, #tpu.memory_space<hbm>>
    tpu.enqueue_indirect_dma source(%dma_start3A_58 : memref<32768x1024xf32, #tpu.memory_space<hbm>>) target(%arg10 : memref<8x1024xf32, #tpu.memory_space<vmem>>) offsets(%dma_start3A_55 : memref<8xi32, #tpu.memory_space<vmem>>) semaphore(%arg18 : memref<!tpu.dma_semaphore, #tpu.memory_space<semaphore_mem>>)
    %dma_start3A_59 = arith.constant 40 : i32
    %dma_start3A_60 = tpu.memref_slice %arg5[%dma_start3A_59] : memref<1024xi32, #tpu.memory_space<vmem>> -> memref<8xi32, #tpu.memory_space<vmem>>
    %dma_start3A_61 = arith.constant 0 : i32
    %dma_start3A_62 = arith.constant 0 : i32
    %dma_start3A_63 = tpu.memref_slice %arg3[%dma_start3A_61, %dma_start3A_62] : memref<32768x1024xf32, #tpu.memory_space<hbm>> -> memref<32768x1024xf32, #tpu.memory_space<hbm>>
    tpu.enqueue_indirect_dma source(%dma_start3A_63 : memref<32768x1024xf32, #tpu.memory_space<hbm>>) target(%arg11 : memref<8x1024xf32, #tpu.memory_space<vmem>>) offsets(%dma_start3A_60 : memref<8xi32, #tpu.memory_space<vmem>>) semaphore(%arg19 : memref<!tpu.dma_semaphore, #tpu.memory_space<semaphore_mem>>)
    %scan3A = arith.constant 0 : i32
    %scan3A_64 = arith.constant 0 : i32
    %scan3A_65 = arith.constant 16 : i32
    %scan3A_66 = arith.addi %scan3A_64, %scan3A_65 : i32
    %scan3A_67 = arith.constant 1 : i32
    scf.for %scan3A_116 = %scan3A_64 to %scan3A_66 step %scan3A_67  : i32 {
      %mul3A_117 = arith.constant 8 : i32
      %mul3A_118 = arith.muli %scan3A_116, %mul3A_117 : i32
      %add3A_119 = arith.constant 0 : i32
      %add3A_120 = arith.addi %mul3A_118, %add3A_119 : i32
      %add3A_121 = arith.constant 6 : i32
      %add3A_122 = arith.addi %add3A_120, %add3A_121 : i32
      %ge3A = arith.constant 8 : i32
      %ge3A_123 = arith.cmpi sge, %add3A_122, %ge3A : i32
      %add3A_124 = arith.constant 6 : i32
      %add3A_125 = arith.addi %add3A_120, %add3A_124 : i32
      %lt3A_126 = arith.constant 128 : i32
      %lt3A_127 = arith.cmpi slt, %add3A_125, %lt3A_126 : i32
      %and3A_128 = arith.andi %ge3A_123, %lt3A_127 : i1
      %convert_element_type3A = arith.extui %and3A_128 : i1 to i32
      %cond3A = arith.constant 0 : i32
      %cond3A_129 = arith.cmpi ne, %convert_element_type3A, %cond3A : i32
      scf.if %cond3A_129 {
        %add3A_402 = arith.constant 6 : i32
        %add3A_403 = arith.addi %add3A_120, %add3A_402 : i32
        %sub3A_404 = arith.constant 8 : i32
        %sub3A_405 = arith.subi %add3A_403, %sub3A_404 : i32
        %mul3A_406 = arith.constant 8 : i32
        %mul3A_407 = arith.muli %sub3A_405, %mul3A_406 : i32
        %add3A_408 = arith.addi %mul3A_2, %mul3A_407 : i32
        %dma_wait3A_409 = arith.constant 0 : i32
        %dma_wait3A_410 = tpu.memref_slice %arg4[%add3A_408, %dma_wait3A_409] : memref<32768x1024xf32, #tpu.memory_space<hbm>> -> memref<8x1024xf32, #tpu.memory_space<hbm>>
        %dma_wait3A_411 = arith.constant 0 : i32
        %dma_wait3A_412 = tpu.memref_slice %arg4[%add3A_408, %dma_wait3A_411] : memref<32768x1024xf32, #tpu.memory_space<hbm>> -> memref<8x1024xf32, #tpu.memory_space<hbm>>
        tpu.wait_dma2 semaphore(%arg28 : memref<!tpu.dma_semaphore, #tpu.memory_space<semaphore_mem>>) src(%arg12 : memref<8x1024xf32, #tpu.memory_space<vmem>>) dst(%dma_wait3A_412 : memref<8x1024xf32, #tpu.memory_space<hbm>>)
      } else {
      }
      %add3A_130 = arith.constant 6 : i32
      %add3A_131 = arith.addi %add3A_120, %add3A_130 : i32
      %lt3A_132 = arith.constant 128 : i32
      %lt3A_133 = arith.cmpi slt, %add3A_131, %lt3A_132 : i32
      %convert_element_type3A_134 = arith.extui %lt3A_133 : i1 to i32
      %cond3A_135 = arith.constant 0 : i32
      %cond3A_136 = arith.cmpi ne, %convert_element_type3A_134, %cond3A_135 : i32
      scf.if %cond3A_136 {
        %add3A_402 = arith.constant 6 : i32
        %add3A_403 = arith.addi %add3A_120, %add3A_402 : i32
        %mul3A_404 = arith.constant 8 : i32
        %mul3A_405 = arith.muli %add3A_403, %mul3A_404 : i32
        %dma_start3A_406 = tpu.memref_slice %arg5[%mul3A_405] : memref<1024xi32, #tpu.memory_space<vmem>> -> memref<8xi32, #tpu.memory_space<vmem>>
        %dma_start3A_407 = arith.constant 0 : i32
        %dma_start3A_408 = arith.constant 0 : i32
        %dma_start3A_409 = tpu.memref_slice %arg3[%dma_start3A_407, %dma_start3A_408] : memref<32768x1024xf32, #tpu.memory_space<hbm>> -> memref<32768x1024xf32, #tpu.memory_space<hbm>>
        tpu.enqueue_indirect_dma source(%dma_start3A_409 : memref<32768x1024xf32, #tpu.memory_space<hbm>>) target(%arg12 : memref<8x1024xf32, #tpu.memory_space<vmem>>) offsets(%dma_start3A_406 : memref<8xi32, #tpu.memory_space<vmem>>) semaphore(%arg20 : memref<!tpu.dma_semaphore, #tpu.memory_space<semaphore_mem>>)
      } else {
      }
      %mul3A_137 = arith.constant 8 : i32
      %mul3A_138 = arith.muli %add3A_120, %mul3A_137 : i32
      %dma_wait3A_139 = tpu.memref_slice %arg5[%mul3A_138] : memref<1024xi32, #tpu.memory_space<vmem>> -> memref<8xi32, #tpu.memory_space<vmem>>
      %dma_wait3A_140 = arith.constant 0 : i32
      %dma_wait3A_141 = arith.constant 0 : i32
      %dma_wait3A_142 = tpu.memref_slice %arg3[%dma_wait3A_140, %dma_wait3A_141] : memref<32768x1024xf32, #tpu.memory_space<hbm>> -> memref<32768x1024xf32, #tpu.memory_space<hbm>>
      tpu.wait_indirect_dma semaphore(%arg14 : memref<!tpu.dma_semaphore, #tpu.memory_space<semaphore_mem>>) src(%dma_wait3A_142 : memref<32768x1024xf32, #tpu.memory_space<hbm>>) dst(%arg6 : memref<8x1024xf32, #tpu.memory_space<vmem>>)
      %mul3A_143 = arith.constant 8 : i32
      %mul3A_144 = arith.muli %add3A_120, %mul3A_143 : i32
      %add3A_145 = arith.addi %mul3A_2, %mul3A_144 : i32
      %dma_start3A_146 = arith.constant 0 : i32
      %dma_start3A_147 = tpu.memref_slice %arg4[%add3A_145, %dma_start3A_146] : memref<32768x1024xf32, #tpu.memory_space<hbm>> -> memref<8x1024xf32, #tpu.memory_space<hbm>>
      %dma_start3A_148 = arith.constant 0 : i32
      %dma_start3A_149 = tpu.memref_slice %arg4[%add3A_145, %dma_start3A_148] : memref<32768x1024xf32, #tpu.memory_space<hbm>> -> memref<8x1024xf32, #tpu.memory_space<hbm>>
      tpu.enqueue_dma source(%arg6 : memref<8x1024xf32, #tpu.memory_space<vmem>>) target(%dma_start3A_149 : memref<8x1024xf32, #tpu.memory_space<hbm>>) target_semaphore(%arg22 : memref<!tpu.dma_semaphore, #tpu.memory_space<semaphore_mem>>)
      %mul3A_150 = arith.constant 8 : i32
      %mul3A_151 = arith.muli %scan3A_116, %mul3A_150 : i32
      %add3A_152 = arith.constant 1 : i32
      %add3A_153 = arith.addi %mul3A_151, %add3A_152 : i32
      %add3A_154 = arith.constant 6 : i32
      %add3A_155 = arith.addi %add3A_153, %add3A_154 : i32
      %ge3A_156 = arith.constant 8 : i32
      %ge3A_157 = arith.cmpi sge, %add3A_155, %ge3A_156 : i32
      %add3A_158 = arith.constant 6 : i32
      %add3A_159 = arith.addi %add3A_153, %add3A_158 : i32
      %lt3A_160 = arith.constant 128 : i32
      %lt3A_161 = arith.cmpi slt, %add3A_159, %lt3A_160 : i32
      %and3A_162 = arith.andi %ge3A_157, %lt3A_161 : i1
      %convert_element_type3A_163 = arith.extui %and3A_162 : i1 to i32
      %cond3A_164 = arith.constant 0 : i32
      %cond3A_165 = arith.cmpi ne, %convert_element_type3A_163, %cond3A_164 : i32
      scf.if %cond3A_165 {
        %add3A_402 = arith.constant 6 : i32
        %add3A_403 = arith.addi %add3A_153, %add3A_402 : i32
        %sub3A_404 = arith.constant 8 : i32
        %sub3A_405 = arith.subi %add3A_403, %sub3A_404 : i32
        %mul3A_406 = arith.constant 8 : i32
        %mul3A_407 = arith.muli %sub3A_405, %mul3A_406 : i32
        %add3A_408 = arith.addi %mul3A_2, %mul3A_407 : i32
        %dma_wait3A_409 = arith.constant 0 : i32
        %dma_wait3A_410 = tpu.memref_slice %arg4[%add3A_408, %dma_wait3A_409] : memref<32768x1024xf32, #tpu.memory_space<hbm>> -> memref<8x1024xf32, #tpu.memory_space<hbm>>
        %dma_wait3A_411 = arith.constant 0 : i32
        %dma_wait3A_412 = tpu.memref_slice %arg4[%add3A_408, %dma_wait3A_411] : memref<32768x1024xf32, #tpu.memory_space<hbm>> -> memref<8x1024xf32, #tpu.memory_space<hbm>>
        tpu.wait_dma2 semaphore(%arg29 : memref<!tpu.dma_semaphore, #tpu.memory_space<semaphore_mem>>) src(%arg13 : memref<8x1024xf32, #tpu.memory_space<vmem>>) dst(%dma_wait3A_412 : memref<8x1024xf32, #tpu.memory_space<hbm>>)
      } else {
      }
      %add3A_166 = arith.constant 6 : i32
      %add3A_167 = arith.addi %add3A_153, %add3A_166 : i32
      %lt3A_168 = arith.constant 128 : i32
      %lt3A_169 = arith.cmpi slt, %add3A_167, %lt3A_168 : i32
      %convert_element_type3A_170 = arith.extui %lt3A_169 : i1 to i32
      %cond3A_171 = arith.constant 0 : i32
      %cond3A_172 = arith.cmpi ne, %convert_element_type3A_170, %cond3A_171 : i32
      scf.if %cond3A_172 {
        %add3A_402 = arith.constant 6 : i32
        %add3A_403 = arith.addi %add3A_153, %add3A_402 : i32
        %mul3A_404 = arith.constant 8 : i32
        %mul3A_405 = arith.muli %add3A_403, %mul3A_404 : i32
        %dma_start3A_406 = tpu.memref_slice %arg5[%mul3A_405] : memref<1024xi32, #tpu.memory_space<vmem>> -> memref<8xi32, #tpu.memory_space<vmem>>
        %dma_start3A_407 = arith.constant 0 : i32
        %dma_start3A_408 = arith.constant 0 : i32
        %dma_start3A_409 = tpu.memref_slice %arg3[%dma_start3A_407, %dma_start3A_408] : memref<32768x1024xf32, #tpu.memory_space<hbm>> -> memref<32768x1024xf32, #tpu.memory_space<hbm>>
        tpu.enqueue_indirect_dma source(%dma_start3A_409 : memref<32768x1024xf32, #tpu.memory_space<hbm>>) target(%arg13 : memref<8x1024xf32, #tpu.memory_space<vmem>>) offsets(%dma_start3A_406 : memref<8xi32, #tpu.memory_space<vmem>>) semaphore(%arg21 : memref<!tpu.dma_semaphore, #tpu.memory_space<semaphore_mem>>)
      } else {
      }
      %mul3A_173 = arith.constant 8 : i32
      %mul3A_174 = arith.muli %add3A_153, %mul3A_173 : i32
      %dma_wait3A_175 = tpu.memref_slice %arg5[%mul3A_174] : memref<1024xi32, #tpu.memory_space<vmem>> -> memref<8xi32, #tpu.memory_space<vmem>>
      %dma_wait3A_176 = arith.constant 0 : i32
      %dma_wait3A_177 = arith.constant 0 : i32
      %dma_wait3A_178 = tpu.memref_slice %arg3[%dma_wait3A_176, %dma_wait3A_177] : memref<32768x1024xf32, #tpu.memory_space<hbm>> -> memref<32768x1024xf32, #tpu.memory_space<hbm>>
      tpu.wait_indirect_dma semaphore(%arg15 : memref<!tpu.dma_semaphore, #tpu.memory_space<semaphore_mem>>) src(%dma_wait3A_178 : memref<32768x1024xf32, #tpu.memory_space<hbm>>) dst(%arg7 : memref<8x1024xf32, #tpu.memory_space<vmem>>)
      %mul3A_179 = arith.constant 8 : i32
      %mul3A_180 = arith.muli %add3A_153, %mul3A_179 : i32
      %add3A_181 = arith.addi %mul3A_2, %mul3A_180 : i32
      %dma_start3A_182 = arith.constant 0 : i32
      %dma_start3A_183 = tpu.memref_slice %arg4[%add3A_181, %dma_start3A_182] : memref<32768x1024xf32, #tpu.memory_space<hbm>> -> memref<8x1024xf32, #tpu.memory_space<hbm>>
      %dma_start3A_184 = arith.constant 0 : i32
      %dma_start3A_185 = tpu.memref_slice %arg4[%add3A_181, %dma_start3A_184] : memref<32768x1024xf32, #tpu.memory_space<hbm>> -> memref<8x1024xf32, #tpu.memory_space<hbm>>
      tpu.enqueue_dma source(%arg7 : memref<8x1024xf32, #tpu.memory_space<vmem>>) target(%dma_start3A_185 : memref<8x1024xf32, #tpu.memory_space<hbm>>) target_semaphore(%arg23 : memref<!tpu.dma_semaphore, #tpu.memory_space<semaphore_mem>>)
      %mul3A_186 = arith.constant 8 : i32
      %mul3A_187 = arith.muli %scan3A_116, %mul3A_186 : i32
      %add3A_188 = arith.constant 2 : i32
      %add3A_189 = arith.addi %mul3A_187, %add3A_188 : i32
      %add3A_190 = arith.constant 6 : i32
      %add3A_191 = arith.addi %add3A_189, %add3A_190 : i32
      %ge3A_192 = arith.constant 8 : i32
      %ge3A_193 = arith.cmpi sge, %add3A_191, %ge3A_192 : i32
      %add3A_194 = arith.constant 6 : i32
      %add3A_195 = arith.addi %add3A_189, %add3A_194 : i32
      %lt3A_196 = arith.constant 128 : i32
      %lt3A_197 = arith.cmpi slt, %add3A_195, %lt3A_196 : i32
      %and3A_198 = arith.andi %ge3A_193, %lt3A_197 : i1
      %convert_element_type3A_199 = arith.extui %and3A_198 : i1 to i32
      %cond3A_200 = arith.constant 0 : i32
      %cond3A_201 = arith.cmpi ne, %convert_element_type3A_199, %cond3A_200 : i32
      scf.if %cond3A_201 {
        %add3A_402 = arith.constant 6 : i32
        %add3A_403 = arith.addi %add3A_189, %add3A_402 : i32
        %sub3A_404 = arith.constant 8 : i32
        %sub3A_405 = arith.subi %add3A_403, %sub3A_404 : i32
        %mul3A_406 = arith.constant 8 : i32
        %mul3A_407 = arith.muli %sub3A_405, %mul3A_406 : i32
        %add3A_408 = arith.addi %mul3A_2, %mul3A_407 : i32
        %dma_wait3A_409 = arith.constant 0 : i32
        %dma_wait3A_410 = tpu.memref_slice %arg4[%add3A_408, %dma_wait3A_409] : memref<32768x1024xf32, #tpu.memory_space<hbm>> -> memref<8x1024xf32, #tpu.memory_space<hbm>>
        %dma_wait3A_411 = arith.constant 0 : i32
        %dma_wait3A_412 = tpu.memref_slice %arg4[%add3A_408, %dma_wait3A_411] : memref<32768x1024xf32, #tpu.memory_space<hbm>> -> memref<8x1024xf32, #tpu.memory_space<hbm>>
        tpu.wait_dma2 semaphore(%arg22 : memref<!tpu.dma_semaphore, #tpu.memory_space<semaphore_mem>>) src(%arg6 : memref<8x1024xf32, #tpu.memory_space<vmem>>) dst(%dma_wait3A_412 : memref<8x1024xf32, #tpu.memory_space<hbm>>)
      } else {
      }
      %add3A_202 = arith.constant 6 : i32
      %add3A_203 = arith.addi %add3A_189, %add3A_202 : i32
      %lt3A_204 = arith.constant 128 : i32
      %lt3A_205 = arith.cmpi slt, %add3A_203, %lt3A_204 : i32
      %convert_element_type3A_206 = arith.extui %lt3A_205 : i1 to i32
      %cond3A_207 = arith.constant 0 : i32
      %cond3A_208 = arith.cmpi ne, %convert_element_type3A_206, %cond3A_207 : i32
      scf.if %cond3A_208 {
        %add3A_402 = arith.constant 6 : i32
        %add3A_403 = arith.addi %add3A_189, %add3A_402 : i32
        %mul3A_404 = arith.constant 8 : i32
        %mul3A_405 = arith.muli %add3A_403, %mul3A_404 : i32
        %dma_start3A_406 = tpu.memref_slice %arg5[%mul3A_405] : memref<1024xi32, #tpu.memory_space<vmem>> -> memref<8xi32, #tpu.memory_space<vmem>>
        %dma_start3A_407 = arith.constant 0 : i32
        %dma_start3A_408 = arith.constant 0 : i32
        %dma_start3A_409 = tpu.memref_slice %arg3[%dma_start3A_407, %dma_start3A_408] : memref<32768x1024xf32, #tpu.memory_space<hbm>> -> memref<32768x1024xf32, #tpu.memory_space<hbm>>
        tpu.enqueue_indirect_dma source(%dma_start3A_409 : memref<32768x1024xf32, #tpu.memory_space<hbm>>) target(%arg6 : memref<8x1024xf32, #tpu.memory_space<vmem>>) offsets(%dma_start3A_406 : memref<8xi32, #tpu.memory_space<vmem>>) semaphore(%arg14 : memref<!tpu.dma_semaphore, #tpu.memory_space<semaphore_mem>>)
      } else {
      }
      %mul3A_209 = arith.constant 8 : i32
      %mul3A_210 = arith.muli %add3A_189, %mul3A_209 : i32
      %dma_wait3A_211 = tpu.memref_slice %arg5[%mul3A_210] : memref<1024xi32, #tpu.memory_space<vmem>> -> memref<8xi32, #tpu.memory_space<vmem>>
      %dma_wait3A_212 = arith.constant 0 : i32
      %dma_wait3A_213 = arith.constant 0 : i32
      %dma_wait3A_214 = tpu.memref_slice %arg3[%dma_wait3A_212, %dma_wait3A_213] : memref<32768x1024xf32, #tpu.memory_space<hbm>> -> memref<32768x1024xf32, #tpu.memory_space<hbm>>
      tpu.wait_indirect_dma semaphore(%arg16 : memref<!tpu.dma_semaphore, #tpu.memory_space<semaphore_mem>>) src(%dma_wait3A_214 : memref<32768x1024xf32, #tpu.memory_space<hbm>>) dst(%arg8 : memref<8x1024xf32, #tpu.memory_space<vmem>>)
      %mul3A_215 = arith.constant 8 : i32
      %mul3A_216 = arith.muli %add3A_189, %mul3A_215 : i32
      %add3A_217 = arith.addi %mul3A_2, %mul3A_216 : i32
      %dma_start3A_218 = arith.constant 0 : i32
      %dma_start3A_219 = tpu.memref_slice %arg4[%add3A_217, %dma_start3A_218] : memref<32768x1024xf32, #tpu.memory_space<hbm>> -> memref<8x1024xf32, #tpu.memory_space<hbm>>
      %dma_start3A_220 = arith.constant 0 : i32
      %dma_start3A_221 = tpu.memref_slice %arg4[%add3A_217, %dma_start3A_220] : memref<32768x1024xf32, #tpu.memory_space<hbm>> -> memref<8x1024xf32, #tpu.memory_space<hbm>>
      tpu.enqueue_dma source(%arg8 : memref<8x1024xf32, #tpu.memory_space<vmem>>) target(%dma_start3A_221 : memref<8x1024xf32, #tpu.memory_space<hbm>>) target_semaphore(%arg24 : memref<!tpu.dma_semaphore, #tpu.memory_space<semaphore_mem>>)
      %mul3A_222 = arith.constant 8 : i32
      %mul3A_223 = arith.muli %scan3A_116, %mul3A_222 : i32
      %add3A_224 = arith.constant 3 : i32
      %add3A_225 = arith.addi %mul3A_223, %add3A_224 : i32
      %add3A_226 = arith.constant 6 : i32
      %add3A_227 = arith.addi %add3A_225, %add3A_226 : i32
      %ge3A_228 = arith.constant 8 : i32
      %ge3A_229 = arith.cmpi sge, %add3A_227, %ge3A_228 : i32
      %add3A_230 = arith.constant 6 : i32
      %add3A_231 = arith.addi %add3A_225, %add3A_230 : i32
      %lt3A_232 = arith.constant 128 : i32
      %lt3A_233 = arith.cmpi slt, %add3A_231, %lt3A_232 : i32
      %and3A_234 = arith.andi %ge3A_229, %lt3A_233 : i1
      %convert_element_type3A_235 = arith.extui %and3A_234 : i1 to i32
      %cond3A_236 = arith.constant 0 : i32
      %cond3A_237 = arith.cmpi ne, %convert_element_type3A_235, %cond3A_236 : i32
      scf.if %cond3A_237 {
        %add3A_402 = arith.constant 6 : i32
        %add3A_403 = arith.addi %add3A_225, %add3A_402 : i32
        %sub3A_404 = arith.constant 8 : i32
        %sub3A_405 = arith.subi %add3A_403, %sub3A_404 : i32
        %mul3A_406 = arith.constant 8 : i32
        %mul3A_407 = arith.muli %sub3A_405, %mul3A_406 : i32
        %add3A_408 = arith.addi %mul3A_2, %mul3A_407 : i32
        %dma_wait3A_409 = arith.constant 0 : i32
        %dma_wait3A_410 = tpu.memref_slice %arg4[%add3A_408, %dma_wait3A_409] : memref<32768x1024xf32, #tpu.memory_space<hbm>> -> memref<8x1024xf32, #tpu.memory_space<hbm>>
        %dma_wait3A_411 = arith.constant 0 : i32
        %dma_wait3A_412 = tpu.memref_slice %arg4[%add3A_408, %dma_wait3A_411] : memref<32768x1024xf32, #tpu.memory_space<hbm>> -> memref<8x1024xf32, #tpu.memory_space<hbm>>
        tpu.wait_dma2 semaphore(%arg23 : memref<!tpu.dma_semaphore, #tpu.memory_space<semaphore_mem>>) src(%arg7 : memref<8x1024xf32, #tpu.memory_space<vmem>>) dst(%dma_wait3A_412 : memref<8x1024xf32, #tpu.memory_space<hbm>>)
      } else {
      }
      %add3A_238 = arith.constant 6 : i32
      %add3A_239 = arith.addi %add3A_225, %add3A_238 : i32
      %lt3A_240 = arith.constant 128 : i32
      %lt3A_241 = arith.cmpi slt, %add3A_239, %lt3A_240 : i32
      %convert_element_type3A_242 = arith.extui %lt3A_241 : i1 to i32
      %cond3A_243 = arith.constant 0 : i32
      %cond3A_244 = arith.cmpi ne, %convert_element_type3A_242, %cond3A_243 : i32
      scf.if %cond3A_244 {
        %add3A_402 = arith.constant 6 : i32
        %add3A_403 = arith.addi %add3A_225, %add3A_402 : i32
        %mul3A_404 = arith.constant 8 : i32
        %mul3A_405 = arith.muli %add3A_403, %mul3A_404 : i32
        %dma_start3A_406 = tpu.memref_slice %arg5[%mul3A_405] : memref<1024xi32, #tpu.memory_space<vmem>> -> memref<8xi32, #tpu.memory_space<vmem>>
        %dma_start3A_407 = arith.constant 0 : i32
        %dma_start3A_408 = arith.constant 0 : i32
        %dma_start3A_409 = tpu.memref_slice %arg3[%dma_start3A_407, %dma_start3A_408] : memref<32768x1024xf32, #tpu.memory_space<hbm>> -> memref<32768x1024xf32, #tpu.memory_space<hbm>>
        tpu.enqueue_indirect_dma source(%dma_start3A_409 : memref<32768x1024xf32, #tpu.memory_space<hbm>>) target(%arg7 : memref<8x1024xf32, #tpu.memory_space<vmem>>) offsets(%dma_start3A_406 : memref<8xi32, #tpu.memory_space<vmem>>) semaphore(%arg15 : memref<!tpu.dma_semaphore, #tpu.memory_space<semaphore_mem>>)
      } else {
      }
      %mul3A_245 = arith.constant 8 : i32
      %mul3A_246 = arith.muli %add3A_225, %mul3A_245 : i32
      %dma_wait3A_247 = tpu.memref_slice %arg5[%mul3A_246] : memref<1024xi32, #tpu.memory_space<vmem>> -> memref<8xi32, #tpu.memory_space<vmem>>
      %dma_wait3A_248 = arith.constant 0 : i32
      %dma_wait3A_249 = arith.constant 0 : i32
      %dma_wait3A_250 = tpu.memref_slice %arg3[%dma_wait3A_248, %dma_wait3A_249] : memref<32768x1024xf32, #tpu.memory_space<hbm>> -> memref<32768x1024xf32, #tpu.memory_space<hbm>>
      tpu.wait_indirect_dma semaphore(%arg17 : memref<!tpu.dma_semaphore, #tpu.memory_space<semaphore_mem>>) src(%dma_wait3A_250 : memref<32768x1024xf32, #tpu.memory_space<hbm>>) dst(%arg9 : memref<8x1024xf32, #tpu.memory_space<vmem>>)
      %mul3A_251 = arith.constant 8 : i32
      %mul3A_252 = arith.muli %add3A_225, %mul3A_251 : i32
      %add3A_253 = arith.addi %mul3A_2, %mul3A_252 : i32
      %dma_start3A_254 = arith.constant 0 : i32
      %dma_start3A_255 = tpu.memref_slice %arg4[%add3A_253, %dma_start3A_254] : memref<32768x1024xf32, #tpu.memory_space<hbm>> -> memref<8x1024xf32, #tpu.memory_space<hbm>>
      %dma_start3A_256 = arith.constant 0 : i32
      %dma_start3A_257 = tpu.memref_slice %arg4[%add3A_253, %dma_start3A_256] : memref<32768x1024xf32, #tpu.memory_space<hbm>> -> memref<8x1024xf32, #tpu.memory_space<hbm>>
      tpu.enqueue_dma source(%arg9 : memref<8x1024xf32, #tpu.memory_space<vmem>>) target(%dma_start3A_257 : memref<8x1024xf32, #tpu.memory_space<hbm>>) target_semaphore(%arg25 : memref<!tpu.dma_semaphore, #tpu.memory_space<semaphore_mem>>)
      %mul3A_258 = arith.constant 8 : i32
      %mul3A_259 = arith.muli %scan3A_116, %mul3A_258 : i32
      %add3A_260 = arith.constant 4 : i32
      %add3A_261 = arith.addi %mul3A_259, %add3A_260 : i32
      %add3A_262 = arith.constant 6 : i32
      %add3A_263 = arith.addi %add3A_261, %add3A_262 : i32
      %ge3A_264 = arith.constant 8 : i32
      %ge3A_265 = arith.cmpi sge, %add3A_263, %ge3A_264 : i32
      %add3A_266 = arith.constant 6 : i32
      %add3A_267 = arith.addi %add3A_261, %add3A_266 : i32
      %lt3A_268 = arith.constant 128 : i32
      %lt3A_269 = arith.cmpi slt, %add3A_267, %lt3A_268 : i32
      %and3A_270 = arith.andi %ge3A_265, %lt3A_269 : i1
      %convert_element_type3A_271 = arith.extui %and3A_270 : i1 to i32
      %cond3A_272 = arith.constant 0 : i32
      %cond3A_273 = arith.cmpi ne, %convert_element_type3A_271, %cond3A_272 : i32
      scf.if %cond3A_273 {
        %add3A_402 = arith.constant 6 : i32
        %add3A_403 = arith.addi %add3A_261, %add3A_402 : i32
        %sub3A_404 = arith.constant 8 : i32
        %sub3A_405 = arith.subi %add3A_403, %sub3A_404 : i32
        %mul3A_406 = arith.constant 8 : i32
        %mul3A_407 = arith.muli %sub3A_405, %mul3A_406 : i32
        %add3A_408 = arith.addi %mul3A_2, %mul3A_407 : i32
        %dma_wait3A_409 = arith.constant 0 : i32
        %dma_wait3A_410 = tpu.memref_slice %arg4[%add3A_408, %dma_wait3A_409] : memref<32768x1024xf32, #tpu.memory_space<hbm>> -> memref<8x1024xf32, #tpu.memory_space<hbm>>
        %dma_wait3A_411 = arith.constant 0 : i32
        %dma_wait3A_412 = tpu.memref_slice %arg4[%add3A_408, %dma_wait3A_411] : memref<32768x1024xf32, #tpu.memory_space<hbm>> -> memref<8x1024xf32, #tpu.memory_space<hbm>>
        tpu.wait_dma2 semaphore(%arg24 : memref<!tpu.dma_semaphore, #tpu.memory_space<semaphore_mem>>) src(%arg8 : memref<8x1024xf32, #tpu.memory_space<vmem>>) dst(%dma_wait3A_412 : memref<8x1024xf32, #tpu.memory_space<hbm>>)
      } else {
      }
      %add3A_274 = arith.constant 6 : i32
      %add3A_275 = arith.addi %add3A_261, %add3A_274 : i32
      %lt3A_276 = arith.constant 128 : i32
      %lt3A_277 = arith.cmpi slt, %add3A_275, %lt3A_276 : i32
      %convert_element_type3A_278 = arith.extui %lt3A_277 : i1 to i32
      %cond3A_279 = arith.constant 0 : i32
      %cond3A_280 = arith.cmpi ne, %convert_element_type3A_278, %cond3A_279 : i32
      scf.if %cond3A_280 {
        %add3A_402 = arith.constant 6 : i32
        %add3A_403 = arith.addi %add3A_261, %add3A_402 : i32
        %mul3A_404 = arith.constant 8 : i32
        %mul3A_405 = arith.muli %add3A_403, %mul3A_404 : i32
        %dma_start3A_406 = tpu.memref_slice %arg5[%mul3A_405] : memref<1024xi32, #tpu.memory_space<vmem>> -> memref<8xi32, #tpu.memory_space<vmem>>
        %dma_start3A_407 = arith.constant 0 : i32
        %dma_start3A_408 = arith.constant 0 : i32
        %dma_start3A_409 = tpu.memref_slice %arg3[%dma_start3A_407, %dma_start3A_408] : memref<32768x1024xf32, #tpu.memory_space<hbm>> -> memref<32768x1024xf32, #tpu.memory_space<hbm>>
        tpu.enqueue_indirect_dma source(%dma_start3A_409 : memref<32768x1024xf32, #tpu.memory_space<hbm>>) target(%arg8 : memref<8x1024xf32, #tpu.memory_space<vmem>>) offsets(%dma_start3A_406 : memref<8xi32, #tpu.memory_space<vmem>>) semaphore(%arg16 : memref<!tpu.dma_semaphore, #tpu.memory_space<semaphore_mem>>)
      } else {
      }
      %mul3A_281 = arith.constant 8 : i32
      %mul3A_282 = arith.muli %add3A_261, %mul3A_281 : i32
      %dma_wait3A_283 = tpu.memref_slice %arg5[%mul3A_282] : memref<1024xi32, #tpu.memory_space<vmem>> -> memref<8xi32, #tpu.memory_space<vmem>>
      %dma_wait3A_284 = arith.constant 0 : i32
      %dma_wait3A_285 = arith.constant 0 : i32
      %dma_wait3A_286 = tpu.memref_slice %arg3[%dma_wait3A_284, %dma_wait3A_285] : memref<32768x1024xf32, #tpu.memory_space<hbm>> -> memref<32768x1024xf32, #tpu.memory_space<hbm>>
      tpu.wait_indirect_dma semaphore(%arg18 : memref<!tpu.dma_semaphore, #tpu.memory_space<semaphore_mem>>) src(%dma_wait3A_286 : memref<32768x1024xf32, #tpu.memory_space<hbm>>) dst(%arg10 : memref<8x1024xf32, #tpu.memory_space<vmem>>)
      %mul3A_287 = arith.constant 8 : i32
      %mul3A_288 = arith.muli %add3A_261, %mul3A_287 : i32
      %add3A_289 = arith.addi %mul3A_2, %mul3A_288 : i32
      %dma_start3A_290 = arith.constant 0 : i32
      %dma_start3A_291 = tpu.memref_slice %arg4[%add3A_289, %dma_start3A_290] : memref<32768x1024xf32, #tpu.memory_space<hbm>> -> memref<8x1024xf32, #tpu.memory_space<hbm>>
      %dma_start3A_292 = arith.constant 0 : i32
      %dma_start3A_293 = tpu.memref_slice %arg4[%add3A_289, %dma_start3A_292] : memref<32768x1024xf32, #tpu.memory_space<hbm>> -> memref<8x1024xf32, #tpu.memory_space<hbm>>
      tpu.enqueue_dma source(%arg10 : memref<8x1024xf32, #tpu.memory_space<vmem>>) target(%dma_start3A_293 : memref<8x1024xf32, #tpu.memory_space<hbm>>) target_semaphore(%arg26 : memref<!tpu.dma_semaphore, #tpu.memory_space<semaphore_mem>>)
      %mul3A_294 = arith.constant 8 : i32
      %mul3A_295 = arith.muli %scan3A_116, %mul3A_294 : i32
      %add3A_296 = arith.constant 5 : i32
      %add3A_297 = arith.addi %mul3A_295, %add3A_296 : i32
      %add3A_298 = arith.constant 6 : i32
      %add3A_299 = arith.addi %add3A_297, %add3A_298 : i32
      %ge3A_300 = arith.constant 8 : i32
      %ge3A_301 = arith.cmpi sge, %add3A_299, %ge3A_300 : i32
      %add3A_302 = arith.constant 6 : i32
      %add3A_303 = arith.addi %add3A_297, %add3A_302 : i32
      %lt3A_304 = arith.constant 128 : i32
      %lt3A_305 = arith.cmpi slt, %add3A_303, %lt3A_304 : i32
      %and3A_306 = arith.andi %ge3A_301, %lt3A_305 : i1
      %convert_element_type3A_307 = arith.extui %and3A_306 : i1 to i32
      %cond3A_308 = arith.constant 0 : i32
      %cond3A_309 = arith.cmpi ne, %convert_element_type3A_307, %cond3A_308 : i32
      scf.if %cond3A_309 {
        %add3A_402 = arith.constant 6 : i32
        %add3A_403 = arith.addi %add3A_297, %add3A_402 : i32
        %sub3A_404 = arith.constant 8 : i32
        %sub3A_405 = arith.subi %add3A_403, %sub3A_404 : i32
        %mul3A_406 = arith.constant 8 : i32
        %mul3A_407 = arith.muli %sub3A_405, %mul3A_406 : i32
        %add3A_408 = arith.addi %mul3A_2, %mul3A_407 : i32
        %dma_wait3A_409 = arith.constant 0 : i32
        %dma_wait3A_410 = tpu.memref_slice %arg4[%add3A_408, %dma_wait3A_409] : memref<32768x1024xf32, #tpu.memory_space<hbm>> -> memref<8x1024xf32, #tpu.memory_space<hbm>>
        %dma_wait3A_411 = arith.constant 0 : i32
        %dma_wait3A_412 = tpu.memref_slice %arg4[%add3A_408, %dma_wait3A_411] : memref<32768x1024xf32, #tpu.memory_space<hbm>> -> memref<8x1024xf32, #tpu.memory_space<hbm>>
        tpu.wait_dma2 semaphore(%arg25 : memref<!tpu.dma_semaphore, #tpu.memory_space<semaphore_mem>>) src(%arg9 : memref<8x1024xf32, #tpu.memory_space<vmem>>) dst(%dma_wait3A_412 : memref<8x1024xf32, #tpu.memory_space<hbm>>)
      } else {
      }
      %add3A_310 = arith.constant 6 : i32
      %add3A_311 = arith.addi %add3A_297, %add3A_310 : i32
      %lt3A_312 = arith.constant 128 : i32
      %lt3A_313 = arith.cmpi slt, %add3A_311, %lt3A_312 : i32
      %convert_element_type3A_314 = arith.extui %lt3A_313 : i1 to i32
      %cond3A_315 = arith.constant 0 : i32
      %cond3A_316 = arith.cmpi ne, %convert_element_type3A_314, %cond3A_315 : i32
      scf.if %cond3A_316 {
        %add3A_402 = arith.constant 6 : i32
        %add3A_403 = arith.addi %add3A_297, %add3A_402 : i32
        %mul3A_404 = arith.constant 8 : i32
        %mul3A_405 = arith.muli %add3A_403, %mul3A_404 : i32
        %dma_start3A_406 = tpu.memref_slice %arg5[%mul3A_405] : memref<1024xi32, #tpu.memory_space<vmem>> -> memref<8xi32, #tpu.memory_space<vmem>>
        %dma_start3A_407 = arith.constant 0 : i32
        %dma_start3A_408 = arith.constant 0 : i32
        %dma_start3A_409 = tpu.memref_slice %arg3[%dma_start3A_407, %dma_start3A_408] : memref<32768x1024xf32, #tpu.memory_space<hbm>> -> memref<32768x1024xf32, #tpu.memory_space<hbm>>
        tpu.enqueue_indirect_dma source(%dma_start3A_409 : memref<32768x1024xf32, #tpu.memory_space<hbm>>) target(%arg9 : memref<8x1024xf32, #tpu.memory_space<vmem>>) offsets(%dma_start3A_406 : memref<8xi32, #tpu.memory_space<vmem>>) semaphore(%arg17 : memref<!tpu.dma_semaphore, #tpu.memory_space<semaphore_mem>>)
      } else {
      }
      %mul3A_317 = arith.constant 8 : i32
      %mul3A_318 = arith.muli %add3A_297, %mul3A_317 : i32
      %dma_wait3A_319 = tpu.memref_slice %arg5[%mul3A_318] : memref<1024xi32, #tpu.memory_space<vmem>> -> memref<8xi32, #tpu.memory_space<vmem>>
      %dma_wait3A_320 = arith.constant 0 : i32
      %dma_wait3A_321 = arith.constant 0 : i32
      %dma_wait3A_322 = tpu.memref_slice %arg3[%dma_wait3A_320, %dma_wait3A_321] : memref<32768x1024xf32, #tpu.memory_space<hbm>> -> memref<32768x1024xf32, #tpu.memory_space<hbm>>
      tpu.wait_indirect_dma semaphore(%arg19 : memref<!tpu.dma_semaphore, #tpu.memory_space<semaphore_mem>>) src(%dma_wait3A_322 : memref<32768x1024xf32, #tpu.memory_space<hbm>>) dst(%arg11 : memref<8x1024xf32, #tpu.memory_space<vmem>>)
      %mul3A_323 = arith.constant 8 : i32
      %mul3A_324 = arith.muli %add3A_297, %mul3A_323 : i32
      %add3A_325 = arith.addi %mul3A_2, %mul3A_324 : i32
      %dma_start3A_326 = arith.constant 0 : i32
      %dma_start3A_327 = tpu.memref_slice %arg4[%add3A_325, %dma_start3A_326] : memref<32768x1024xf32, #tpu.memory_space<hbm>> -> memref<8x1024xf32, #tpu.memory_space<hbm>>
      %dma_start3A_328 = arith.constant 0 : i32
      %dma_start3A_329 = tpu.memref_slice %arg4[%add3A_325, %dma_start3A_328] : memref<32768x1024xf32, #tpu.memory_space<hbm>> -> memref<8x1024xf32, #tpu.memory_space<hbm>>
      tpu.enqueue_dma source(%arg11 : memref<8x1024xf32, #tpu.memory_space<vmem>>) target(%dma_start3A_329 : memref<8x1024xf32, #tpu.memory_space<hbm>>) target_semaphore(%arg27 : memref<!tpu.dma_semaphore, #tpu.memory_space<semaphore_mem>>)
      %mul3A_330 = arith.constant 8 : i32
      %mul3A_331 = arith.muli %scan3A_116, %mul3A_330 : i32
      %add3A_332 = arith.constant 6 : i32
      %add3A_333 = arith.addi %mul3A_331, %add3A_332 : i32
      %add3A_334 = arith.constant 6 : i32
      %add3A_335 = arith.addi %add3A_333, %add3A_334 : i32
      %ge3A_336 = arith.constant 8 : i32
      %ge3A_337 = arith.cmpi sge, %add3A_335, %ge3A_336 : i32
      %add3A_338 = arith.constant 6 : i32
      %add3A_339 = arith.addi %add3A_333, %add3A_338 : i32
      %lt3A_340 = arith.constant 128 : i32
      %lt3A_341 = arith.cmpi slt, %add3A_339, %lt3A_340 : i32
      %and3A_342 = arith.andi %ge3A_337, %lt3A_341 : i1
      %convert_element_type3A_343 = arith.extui %and3A_342 : i1 to i32
      %cond3A_344 = arith.constant 0 : i32
      %cond3A_345 = arith.cmpi ne, %convert_element_type3A_343, %cond3A_344 : i32
      scf.if %cond3A_345 {
        %add3A_402 = arith.constant 6 : i32
        %add3A_403 = arith.addi %add3A_333, %add3A_402 : i32
        %sub3A_404 = arith.constant 8 : i32
        %sub3A_405 = arith.subi %add3A_403, %sub3A_404 : i32
        %mul3A_406 = arith.constant 8 : i32
        %mul3A_407 = arith.muli %sub3A_405, %mul3A_406 : i32
        %add3A_408 = arith.addi %mul3A_2, %mul3A_407 : i32
        %dma_wait3A_409 = arith.constant 0 : i32
        %dma_wait3A_410 = tpu.memref_slice %arg4[%add3A_408, %dma_wait3A_409] : memref<32768x1024xf32, #tpu.memory_space<hbm>> -> memref<8x1024xf32, #tpu.memory_space<hbm>>
        %dma_wait3A_411 = arith.constant 0 : i32
        %dma_wait3A_412 = tpu.memref_slice %arg4[%add3A_408, %dma_wait3A_411] : memref<32768x1024xf32, #tpu.memory_space<hbm>> -> memref<8x1024xf32, #tpu.memory_space<hbm>>
        tpu.wait_dma2 semaphore(%arg26 : memref<!tpu.dma_semaphore, #tpu.memory_space<semaphore_mem>>) src(%arg10 : memref<8x1024xf32, #tpu.memory_space<vmem>>) dst(%dma_wait3A_412 : memref<8x1024xf32, #tpu.memory_space<hbm>>)
      } else {
      }
      %add3A_346 = arith.constant 6 : i32
      %add3A_347 = arith.addi %add3A_333, %add3A_346 : i32
      %lt3A_348 = arith.constant 128 : i32
      %lt3A_349 = arith.cmpi slt, %add3A_347, %lt3A_348 : i32
      %convert_element_type3A_350 = arith.extui %lt3A_349 : i1 to i32
      %cond3A_351 = arith.constant 0 : i32
      %cond3A_352 = arith.cmpi ne, %convert_element_type3A_350, %cond3A_351 : i32
      scf.if %cond3A_352 {
        %add3A_402 = arith.constant 6 : i32
        %add3A_403 = arith.addi %add3A_333, %add3A_402 : i32
        %mul3A_404 = arith.constant 8 : i32
        %mul3A_405 = arith.muli %add3A_403, %mul3A_404 : i32
        %dma_start3A_406 = tpu.memref_slice %arg5[%mul3A_405] : memref<1024xi32, #tpu.memory_space<vmem>> -> memref<8xi32, #tpu.memory_space<vmem>>
        %dma_start3A_407 = arith.constant 0 : i32
        %dma_start3A_408 = arith.constant 0 : i32
        %dma_start3A_409 = tpu.memref_slice %arg3[%dma_start3A_407, %dma_start3A_408] : memref<32768x1024xf32, #tpu.memory_space<hbm>> -> memref<32768x1024xf32, #tpu.memory_space<hbm>>
        tpu.enqueue_indirect_dma source(%dma_start3A_409 : memref<32768x1024xf32, #tpu.memory_space<hbm>>) target(%arg10 : memref<8x1024xf32, #tpu.memory_space<vmem>>) offsets(%dma_start3A_406 : memref<8xi32, #tpu.memory_space<vmem>>) semaphore(%arg18 : memref<!tpu.dma_semaphore, #tpu.memory_space<semaphore_mem>>)
      } else {
      }
      %mul3A_353 = arith.constant 8 : i32
      %mul3A_354 = arith.muli %add3A_333, %mul3A_353 : i32
      %dma_wait3A_355 = tpu.memref_slice %arg5[%mul3A_354] : memref<1024xi32, #tpu.memory_space<vmem>> -> memref<8xi32, #tpu.memory_space<vmem>>
      %dma_wait3A_356 = arith.constant 0 : i32
      %dma_wait3A_357 = arith.constant 0 : i32
      %dma_wait3A_358 = tpu.memref_slice %arg3[%dma_wait3A_356, %dma_wait3A_357] : memref<32768x1024xf32, #tpu.memory_space<hbm>> -> memref<32768x1024xf32, #tpu.memory_space<hbm>>
      tpu.wait_indirect_dma semaphore(%arg20 : memref<!tpu.dma_semaphore, #tpu.memory_space<semaphore_mem>>) src(%dma_wait3A_358 : memref<32768x1024xf32, #tpu.memory_space<hbm>>) dst(%arg12 : memref<8x1024xf32, #tpu.memory_space<vmem>>)
      %mul3A_359 = arith.constant 8 : i32
      %mul3A_360 = arith.muli %add3A_333, %mul3A_359 : i32
      %add3A_361 = arith.addi %mul3A_2, %mul3A_360 : i32
      %dma_start3A_362 = arith.constant 0 : i32
      %dma_start3A_363 = tpu.memref_slice %arg4[%add3A_361, %dma_start3A_362] : memref<32768x1024xf32, #tpu.memory_space<hbm>> -> memref<8x1024xf32, #tpu.memory_space<hbm>>
      %dma_start3A_364 = arith.constant 0 : i32
      %dma_start3A_365 = tpu.memref_slice %arg4[%add3A_361, %dma_start3A_364] : memref<32768x1024xf32, #tpu.memory_space<hbm>> -> memref<8x1024xf32, #tpu.memory_space<hbm>>
      tpu.enqueue_dma source(%arg12 : memref<8x1024xf32, #tpu.memory_space<vmem>>) target(%dma_start3A_365 : memref<8x1024xf32, #tpu.memory_space<hbm>>) target_semaphore(%arg28 : memref<!tpu.dma_semaphore, #tpu.memory_space<semaphore_mem>>)
      %mul3A_366 = arith.constant 8 : i32
      %mul3A_367 = arith.muli %scan3A_116, %mul3A_366 : i32
      %add3A_368 = arith.constant 7 : i32
      %add3A_369 = arith.addi %mul3A_367, %add3A_368 : i32
      %add3A_370 = arith.constant 6 : i32
      %add3A_371 = arith.addi %add3A_369, %add3A_370 : i32
      %ge3A_372 = arith.constant 8 : i32
      %ge3A_373 = arith.cmpi sge, %add3A_371, %ge3A_372 : i32
      %add3A_374 = arith.constant 6 : i32
      %add3A_375 = arith.addi %add3A_369, %add3A_374 : i32
      %lt3A_376 = arith.constant 128 : i32
      %lt3A_377 = arith.cmpi slt, %add3A_375, %lt3A_376 : i32
      %and3A_378 = arith.andi %ge3A_373, %lt3A_377 : i1
      %convert_element_type3A_379 = arith.extui %and3A_378 : i1 to i32
      %cond3A_380 = arith.constant 0 : i32
      %cond3A_381 = arith.cmpi ne, %convert_element_type3A_379, %cond3A_380 : i32
      scf.if %cond3A_381 {
        %add3A_402 = arith.constant 6 : i32
        %add3A_403 = arith.addi %add3A_369, %add3A_402 : i32
        %sub3A_404 = arith.constant 8 : i32
        %sub3A_405 = arith.subi %add3A_403, %sub3A_404 : i32
        %mul3A_406 = arith.constant 8 : i32
        %mul3A_407 = arith.muli %sub3A_405, %mul3A_406 : i32
        %add3A_408 = arith.addi %mul3A_2, %mul3A_407 : i32
        %dma_wait3A_409 = arith.constant 0 : i32
        %dma_wait3A_410 = tpu.memref_slice %arg4[%add3A_408, %dma_wait3A_409] : memref<32768x1024xf32, #tpu.memory_space<hbm>> -> memref<8x1024xf32, #tpu.memory_space<hbm>>
        %dma_wait3A_411 = arith.constant 0 : i32
        %dma_wait3A_412 = tpu.memref_slice %arg4[%add3A_408, %dma_wait3A_411] : memref<32768x1024xf32, #tpu.memory_space<hbm>> -> memref<8x1024xf32, #tpu.memory_space<hbm>>
        tpu.wait_dma2 semaphore(%arg27 : memref<!tpu.dma_semaphore, #tpu.memory_space<semaphore_mem>>) src(%arg11 : memref<8x1024xf32, #tpu.memory_space<vmem>>) dst(%dma_wait3A_412 : memref<8x1024xf32, #tpu.memory_space<hbm>>)
      } else {
      }
      %add3A_382 = arith.constant 6 : i32
      %add3A_383 = arith.addi %add3A_369, %add3A_382 : i32
      %lt3A_384 = arith.constant 128 : i32
      %lt3A_385 = arith.cmpi slt, %add3A_383, %lt3A_384 : i32
      %convert_element_type3A_386 = arith.extui %lt3A_385 : i1 to i32
      %cond3A_387 = arith.constant 0 : i32
      %cond3A_388 = arith.cmpi ne, %convert_element_type3A_386, %cond3A_387 : i32
      scf.if %cond3A_388 {
        %add3A_402 = arith.constant 6 : i32
        %add3A_403 = arith.addi %add3A_369, %add3A_402 : i32
        %mul3A_404 = arith.constant 8 : i32
        %mul3A_405 = arith.muli %add3A_403, %mul3A_404 : i32
        %dma_start3A_406 = tpu.memref_slice %arg5[%mul3A_405] : memref<1024xi32, #tpu.memory_space<vmem>> -> memref<8xi32, #tpu.memory_space<vmem>>
        %dma_start3A_407 = arith.constant 0 : i32
        %dma_start3A_408 = arith.constant 0 : i32
        %dma_start3A_409 = tpu.memref_slice %arg3[%dma_start3A_407, %dma_start3A_408] : memref<32768x1024xf32, #tpu.memory_space<hbm>> -> memref<32768x1024xf32, #tpu.memory_space<hbm>>
        tpu.enqueue_indirect_dma source(%dma_start3A_409 : memref<32768x1024xf32, #tpu.memory_space<hbm>>) target(%arg11 : memref<8x1024xf32, #tpu.memory_space<vmem>>) offsets(%dma_start3A_406 : memref<8xi32, #tpu.memory_space<vmem>>) semaphore(%arg19 : memref<!tpu.dma_semaphore, #tpu.memory_space<semaphore_mem>>)
      } else {
      }
      %mul3A_389 = arith.constant 8 : i32
      %mul3A_390 = arith.muli %add3A_369, %mul3A_389 : i32
      %dma_wait3A_391 = tpu.memref_slice %arg5[%mul3A_390] : memref<1024xi32, #tpu.memory_space<vmem>> -> memref<8xi32, #tpu.memory_space<vmem>>
      %dma_wait3A_392 = arith.constant 0 : i32
      %dma_wait3A_393 = arith.constant 0 : i32
      %dma_wait3A_394 = tpu.memref_slice %arg3[%dma_wait3A_392, %dma_wait3A_393] : memref<32768x1024xf32, #tpu.memory_space<hbm>> -> memref<32768x1024xf32, #tpu.memory_space<hbm>>
      tpu.wait_indirect_dma semaphore(%arg21 : memref<!tpu.dma_semaphore, #tpu.memory_space<semaphore_mem>>) src(%dma_wait3A_394 : memref<32768x1024xf32, #tpu.memory_space<hbm>>) dst(%arg13 : memref<8x1024xf32, #tpu.memory_space<vmem>>)
      %mul3A_395 = arith.constant 8 : i32
      %mul3A_396 = arith.muli %add3A_369, %mul3A_395 : i32
      %add3A_397 = arith.addi %mul3A_2, %mul3A_396 : i32
      %dma_start3A_398 = arith.constant 0 : i32
      %dma_start3A_399 = tpu.memref_slice %arg4[%add3A_397, %dma_start3A_398] : memref<32768x1024xf32, #tpu.memory_space<hbm>> -> memref<8x1024xf32, #tpu.memory_space<hbm>>
      %dma_start3A_400 = arith.constant 0 : i32
      %dma_start3A_401 = tpu.memref_slice %arg4[%add3A_397, %dma_start3A_400] : memref<32768x1024xf32, #tpu.memory_space<hbm>> -> memref<8x1024xf32, #tpu.memory_space<hbm>>
      tpu.enqueue_dma source(%arg13 : memref<8x1024xf32, #tpu.memory_space<vmem>>) target(%dma_start3A_401 : memref<8x1024xf32, #tpu.memory_space<hbm>>) target_semaphore(%arg29 : memref<!tpu.dma_semaphore, #tpu.memory_space<semaphore_mem>>)
    }
    %scan3A_68 = arith.constant 16 : i32
    %add3A_69 = arith.constant 960 : i32
    %add3A_70 = arith.addi %mul3A_2, %add3A_69 : i32
    %dma_wait3A = arith.constant 0 : i32
    %dma_wait3A_71 = tpu.memref_slice %arg4[%add3A_70, %dma_wait3A] : memref<32768x1024xf32, #tpu.memory_space<hbm>> -> memref<8x1024xf32, #tpu.memory_space<hbm>>
    %dma_wait3A_72 = arith.constant 0 : i32
    %dma_wait3A_73 = tpu.memref_slice %arg4[%add3A_70, %dma_wait3A_72] : memref<32768x1024xf32, #tpu.memory_space<hbm>> -> memref<8x1024xf32, #tpu.memory_space<hbm>>
    tpu.wait_dma2 semaphore(%arg22 : memref<!tpu.dma_semaphore, #tpu.memory_space<semaphore_mem>>) src(%arg6 : memref<8x1024xf32, #tpu.memory_space<vmem>>) dst(%dma_wait3A_73 : memref<8x1024xf32, #tpu.memory_space<hbm>>)
    %add3A_74 = arith.constant 968 : i32
    %add3A_75 = arith.addi %mul3A_2, %add3A_74 : i32
    %dma_wait3A_76 = arith.constant 0 : i32
    %dma_wait3A_77 = tpu.memref_slice %arg4[%add3A_75, %dma_wait3A_76] : memref<32768x1024xf32, #tpu.memory_space<hbm>> -> memref<8x1024xf32, #tpu.memory_space<hbm>>
    %dma_wait3A_78 = arith.constant 0 : i32
    %dma_wait3A_79 = tpu.memref_slice %arg4[%add3A_75, %dma_wait3A_78] : memref<32768x1024xf32, #tpu.memory_space<hbm>> -> memref<8x1024xf32, #tpu.memory_space<hbm>>
    tpu.wait_dma2 semaphore(%arg23 : memref<!tpu.dma_semaphore, #tpu.memory_space<semaphore_mem>>) src(%arg7 : memref<8x1024xf32, #tpu.memory_space<vmem>>) dst(%dma_wait3A_79 : memref<8x1024xf32, #tpu.memory_space<hbm>>)
    %add3A_80 = arith.constant 976 : i32
    %add3A_81 = arith.addi %mul3A_2, %add3A_80 : i32
    %dma_wait3A_82 = arith.constant 0 : i32
    %dma_wait3A_83 = tpu.memref_slice %arg4[%add3A_81, %dma_wait3A_82] : memref<32768x1024xf32, #tpu.memory_space<hbm>> -> memref<8x1024xf32, #tpu.memory_space<hbm>>
    %dma_wait3A_84 = arith.constant 0 : i32
    %dma_wait3A_85 = tpu.memref_slice %arg4[%add3A_81, %dma_wait3A_84] : memref<32768x1024xf32, #tpu.memory_space<hbm>> -> memref<8x1024xf32, #tpu.memory_space<hbm>>
    tpu.wait_dma2 semaphore(%arg24 : memref<!tpu.dma_semaphore, #tpu.memory_space<semaphore_mem>>) src(%arg8 : memref<8x1024xf32, #tpu.memory_space<vmem>>) dst(%dma_wait3A_85 : memref<8x1024xf32, #tpu.memory_space<hbm>>)
    %add3A_86 = arith.constant 984 : i32
    %add3A_87 = arith.addi %mul3A_2, %add3A_86 : i32
    %dma_wait3A_88 = arith.constant 0 : i32
    %dma_wait3A_89 = tpu.memref_slice %arg4[%add3A_87, %dma_wait3A_88] : memref<32768x1024xf32, #tpu.memory_space<hbm>> -> memref<8x1024xf32, #tpu.memory_space<hbm>>
    %dma_wait3A_90 = arith.constant 0 : i32
    %dma_wait3A_91 = tpu.memref_slice %arg4[%add3A_87, %dma_wait3A_90] : memref<32768x1024xf32, #tpu.memory_space<hbm>> -> memref<8x1024xf32, #tpu.memory_space<hbm>>
    tpu.wait_dma2 semaphore(%arg25 : memref<!tpu.dma_semaphore, #tpu.memory_space<semaphore_mem>>) src(%arg9 : memref<8x1024xf32, #tpu.memory_space<vmem>>) dst(%dma_wait3A_91 : memref<8x1024xf32, #tpu.memory_space<hbm>>)
    %add3A_92 = arith.constant 992 : i32
    %add3A_93 = arith.addi %mul3A_2, %add3A_92 : i32
    %dma_wait3A_94 = arith.constant 0 : i32
    %dma_wait3A_95 = tpu.memref_slice %arg4[%add3A_93, %dma_wait3A_94] : memref<32768x1024xf32, #tpu.memory_space<hbm>> -> memref<8x1024xf32, #tpu.memory_space<hbm>>
    %dma_wait3A_96 = arith.constant 0 : i32
    %dma_wait3A_97 = tpu.memref_slice %arg4[%add3A_93, %dma_wait3A_96] : memref<32768x1024xf32, #tpu.memory_space<hbm>> -> memref<8x1024xf32, #tpu.memory_space<hbm>>
    tpu.wait_dma2 semaphore(%arg26 : memref<!tpu.dma_semaphore, #tpu.memory_space<semaphore_mem>>) src(%arg10 : memref<8x1024xf32, #tpu.memory_space<vmem>>) dst(%dma_wait3A_97 : memref<8x1024xf32, #tpu.memory_space<hbm>>)
    %add3A_98 = arith.constant 1000 : i32
    %add3A_99 = arith.addi %mul3A_2, %add3A_98 : i32
    %dma_wait3A_100 = arith.constant 0 : i32
    %dma_wait3A_101 = tpu.memref_slice %arg4[%add3A_99, %dma_wait3A_100] : memref<32768x1024xf32, #tpu.memory_space<hbm>> -> memref<8x1024xf32, #tpu.memory_space<hbm>>
    %dma_wait3A_102 = arith.constant 0 : i32
    %dma_wait3A_103 = tpu.memref_slice %arg4[%add3A_99, %dma_wait3A_102] : memref<32768x1024xf32, #tpu.memory_space<hbm>> -> memref<8x1024xf32, #tpu.memory_space<hbm>>
    tpu.wait_dma2 semaphore(%arg27 : memref<!tpu.dma_semaphore, #tpu.memory_space<semaphore_mem>>) src(%arg11 : memref<8x1024xf32, #tpu.memory_space<vmem>>) dst(%dma_wait3A_103 : memref<8x1024xf32, #tpu.memory_space<hbm>>)
    %add3A_104 = arith.constant 1008 : i32
    %add3A_105 = arith.addi %mul3A_2, %add3A_104 : i32
    %dma_wait3A_106 = arith.constant 0 : i32
    %dma_wait3A_107 = tpu.memref_slice %arg4[%add3A_105, %dma_wait3A_106] : memref<32768x1024xf32, #tpu.memory_space<hbm>> -> memref<8x1024xf32, #tpu.memory_space<hbm>>
    %dma_wait3A_108 = arith.constant 0 : i32
    %dma_wait3A_109 = tpu.memref_slice %arg4[%add3A_105, %dma_wait3A_108] : memref<32768x1024xf32, #tpu.memory_space<hbm>> -> memref<8x1024xf32, #tpu.memory_space<hbm>>
    tpu.wait_dma2 semaphore(%arg28 : memref<!tpu.dma_semaphore, #tpu.memory_space<semaphore_mem>>) src(%arg12 : memref<8x1024xf32, #tpu.memory_space<vmem>>) dst(%dma_wait3A_109 : memref<8x1024xf32, #tpu.memory_space<hbm>>)
    %add3A_110 = arith.constant 1016 : i32
    %add3A_111 = arith.addi %mul3A_2, %add3A_110 : i32
    %dma_wait3A_112 = arith.constant 0 : i32
    %dma_wait3A_113 = tpu.memref_slice %arg4[%add3A_111, %dma_wait3A_112] : memref<32768x1024xf32, #tpu.memory_space<hbm>> -> memref<8x1024xf32, #tpu.memory_space<hbm>>
    %dma_wait3A_114 = arith.constant 0 : i32
    %dma_wait3A_115 = tpu.memref_slice %arg4[%add3A_111, %dma_wait3A_114] : memref<32768x1024xf32, #tpu.memory_space<hbm>> -> memref<8x1024xf32, #tpu.memory_space<hbm>>
    tpu.wait_dma2 semaphore(%arg29 : memref<!tpu.dma_semaphore, #tpu.memory_space<semaphore_mem>>) src(%arg13 : memref<8x1024xf32, #tpu.memory_space<vmem>>) dst(%dma_wait3A_115 : memref<8x1024xf32, #tpu.memory_space<hbm>>)
    return
  }
}

</mosaic_0001>

<sc_bundles>
// kernel: kernel.3.cloned.1.call-start
scs
__scs_entry_jumppad:
0x0: {  	(pc) =	sbr.rel $0x88, $3  }
0x1: {  	(tag) =	ssettag $0x0;
	lr =	simm.s32 $0x1  }
0x2: {  	[smem:$0x3F9F] =	sst lr;
	_ =	strace $0xD0000000  }
0x3: {  	_ = 	snop  }
0x4: {  	_ = 	snop  }
0x5: {  	_ = 	snop  }
0x6: {  	_ = 	snop  }
0x7: {  	_ = 	snop  }
__scs_overlays_trampoline_lowered:
0x8: {  	[smem:$0x3FAE] =	sst s0  }
0x9: {  	[smem:$0x3FAF] =	sst s1  }
0xa: {  	[smem:$0x3FB0] =	sst s2  }
0xb: {  	[smem:$0x3FB1] =	sst s3  }
0xc: {  	[smem:$0x3FB2] =	sst s4  }
0xd: {  	[smem:$0x3FB3] =	sst s5  }
0xe: {  	[smem:$0x3FB4] =	sst s6  }
0xf: {  	[smem:$0x3FB5] =	sst s7  }
0x10: {  	[smem:$0x3FB6] =	sst s8  }
0x11: {  	[smem:$0x3FB7] =	sst s9;
	s0 =	simm.s32 @!p0 $0x0  }
0x12: {  	s1 =	sld [smem:$0x3F9D];
	s0 =	simm.s32 @p0 $0x1  }
0x13: {  	[smem:$0x3FB8] =	sst s0;
	s0 =	simm.s32 @!p1 $0x0  }
0x14: {  	s2 =	sld [smem:$0x3F9C];
	s0 =	simm.s32 @p1 $0x1  }
0x15: {  	[smem:$0x3FB9] =	sst s0;
	s0 =	simm.s32 @!p2 $0x0  }
0x16: {  	s3 =	sld [smem:$0x3FDB];
	s0 =	simm.s32 @p2 $0x1  }
0x17: {  	s4 =	simm.s32 $0x1BF5;
	[smem:$0x3FBB] =	sst s0  }
0x18: {  	s0 =	sld [smem:$0x3F9E];
	_ =	swait.ge [sflag:s4], $0x0  }
0x19: {  	s7 =	sld [smem:$0x3F9F]  }
0x1a: {  	s8 =	sadd.s32 $0xFFFFE003, lr  }
0x1b: {  	s9 =	sadd.s32 $0xFFFFFEF7, lr;
	s5 =	simm.s32 $0xFFFFFFFF;
	p2 =	slt.u32 s8, $0xFFFFF086  }
0x1c: {  	p1 =	slt.u32 s9, $0xF7A;
	s5 =	simm.s32 @!p2 $0x0  }
0x1d: {  	s5 =	simm.s32 @p1 $0x1;
	p0 =	seq.s32 s7, s2  }
0x1e: {  	s7 =	smul.u32 @!p0 $0xF7A, s2;
	p2 =	seq.s32 @!p0 s5, $0x0  }
0x1f: {  	s9 =	smul.u32 $0xF7A, s1;
	s8 =	simm.s32 @!p0 $0x1BF5;
	p2 =	por !p2, p0  }
0x20: {  	[sflag:s8] =	ssyncset.s32 @!p0 $0xFFFFF086;
	s6 =	sadd.s32 @!p0 s3, s7;
	s7 =	simm.s32 @!p0 $0x108  }
0x21: {  	s3 =	sadd.s32 s3, s9;
	s6 =	sadd.s32 @!p0 $0x88, s6;
	s7 =	simm.s32 @p2 $0x1082  }
0x22: {  	[simem:s7], [sflag:s8] =	dma.local @!p0 [hbm:s6], $0xF7A  }
0x23: {  	s9 =	sor.u32 $0xD0000000, s2;
	s6 =	simm.s32 $0x108;
	_ =	swait.ge @!p0 [sflag:s8], $0x0  }
0x24: {  	s3 =	sadd.s32 $0x88, s3;
	s6 =	simm.s32 @!p1 $0x1082;
	[sflag:s4] =	ssyncset.s32 $0xFFFFF086  }
0x25: {  	[simem:s6], [sflag:s4] =	dma.local [hbm:s3], $0xF7A  }
0x26: {  	[smem:$0x3F9F] =	sst s1;
	(tag) =	ssettag s2;
	_ =	strace s9  }
0x27: {  	s1 =	sld [smem:$0x3FAF]  }
0x28: {  	s2 =	sld [smem:$0x3FB0]  }
0x29: {  	s4 =	sld [smem:$0x3FB2]  }
0x2a: {  	p0 =	seq.s32 s5, $0x0;
	s5 =	sld [smem:$0x3FB3]  }
0x2b: {  	s6 =	sld [smem:$0x3FB4]  }
0x2c: {  	s7 =	sld [smem:$0x3FB5]  }
0x2d: {  	s3 =	simm.s32 $0x108;
	s8 =	sld [smem:$0x3FB6]  }
0x2e: {  	s3 =	simm.s32 @!p0 $0x1082;
	s9 =	sld [smem:$0x3FB7]  }
0x2f: {  	lr =	sadd.s32 s0, s3;
	s0 =	sld [smem:$0x3FAE]  }
0x30: {  	s3 =	sld [smem:$0x3FB1]  }
0x31: {  	[smem:$0x3FBA] =	sst s10  }
0x32: {  	s10 =	sld [smem:$0x3FB8];
	_ =	sdelay $0x3  }
0x33: {  	p0 =	seq.s32 s10, $0x1;
	s10 =	sld [smem:$0x3FBA];
	_ =	sdelay $0x3  }
0x34: {  	[smem:$0x3FBA] =	sst s10  }
0x35: {  	s10 =	sld [smem:$0x3FB9];
	_ =	sdelay $0x3  }
0x36: {  	p1 =	seq.s32 s10, $0x1;
	s10 =	sld [smem:$0x3FBA];
	_ =	sdelay $0x3  }
0x37: {  	[smem:$0x3FBA] =	sst s10  }
0x38: {  	s10 =	sld [smem:$0x3FBB]  }
0x39: {  	_ = 	snop;
	(pc) =	sbr.ind lr, $3  }
0x3a: {  	_ = 	snop  }
0x3b: {  	_ = 	snop  }
0x3c: {  	p2 =	seq.s32 s10, $0x1;
	s10 =	sld [smem:$0x3FBA]  }
0x3d: {  	_ =	shalt  }
0x3e: {  	_ =	shalt  }
0x3f: {  	_ =	shalt  }
0x40: {  	_ =	shalt  }
0x41: {  	_ =	shalt  }
0x42: {  	_ =	shalt  }
0x43: {  	_ =	shalt  }
0x44: {  	_ =	shalt  }
0x45: {  	_ =	shalt  }
0x46: {  	_ =	shalt  }
0x47: {  	_ =	shalt  }
0x48: {  	_ =	shalt  }
0x49: {  	_ =	shalt  }
0x4a: {  	_ =	shalt  }
0x4b: {  	_ =	shalt  }
0x4c: {  	_ =	shalt  }
0x4d: {  	_ =	shalt  }
0x4e: {  	_ =	shalt  }
0x4f: {  	_ =	shalt  }
0x50: {  	_ =	shalt  }
0x51: {  	_ =	shalt  }
0x52: {  	_ =	shalt  }
0x53: {  	_ =	shalt  }
0x54: {  	_ =	shalt  }
0x55: {  	_ =	shalt  }
0x56: {  	_ =	shalt  }
0x57: {  	_ =	shalt  }
0x58: {  	_ =	shalt  }
0x59: {  	_ =	shalt  }
0x5a: {  	_ =	shalt  }
0x5b: {  	_ =	shalt  }
0x5c: {  	_ =	shalt  }
0x5d: {  	_ =	shalt  }
0x5e: {  	_ =	shalt  }
0x5f: {  	_ =	shalt  }
0x60: {  	_ =	shalt  }
0x61: {  	_ =	shalt  }
0x62: {  	_ =	shalt  }
0x63: {  	_ =	shalt  }
0x64: {  	_ =	shalt  }
0x65: {  	_ =	shalt  }
0x66: {  	_ =	shalt  }
0x67: {  	_ =	shalt  }
0x68: {  	_ =	shalt  }
0x69: {  	_ =	shalt  }
0x6a: {  	_ =	shalt  }
0x6b: {  	_ =	shalt  }
0x6c: {  	_ =	shalt  }
0x6d: {  	_ =	shalt  }
0x6e: {  	_ =	shalt  }
0x6f: {  	_ =	shalt  }
0x70: {  	_ =	shalt  }
0x71: {  	_ =	shalt  }
0x72: {  	_ =	shalt  }
0x73: {  	_ =	shalt  }
0x74: {  	_ =	shalt  }
0x75: {  	_ =	shalt  }
0x76: {  	_ =	shalt  }
0x77: {  	_ =	shalt  }
0x78: {  	_ =	shalt  }
0x79: {  	_ =	shalt  }
0x7a: {  	_ =	shalt  }
0x7b: {  	_ =	shalt  }
0x7c: {  	_ =	shalt  }
0x7d: {  	_ =	shalt  }
0x7e: {  	_ =	shalt  }
0x7f: {  	_ =	shalt  }
0x80: {  	_ =	shalt  }
0x81: {  	_ =	shalt  }
0x82: {  	_ =	shalt  }
0x83: {  	_ =	shalt  }
0x84: {  	_ =	shalt  }
0x85: {  	_ =	shalt  }
0x86: {  	_ =	shalt  }
0x87: {  	_ =	shalt  }
.Lfunc_end0:
.L_simem_size_0:
called_computation_lowered:
.L_overlay_start_0:
0x88: {  	s2 =	sld [smem:$0x3FD9]  }
0x89: {  	s3 =	sld [smem:$0x3FFE];
	_ =	sdelay $0x1  }
0x8a: {  	s1 =	srdreg.scid  }
0x8b: {  	s0 =	sand.u32 $0x1, s1  }
0x8c: {  	s18 =	sshll.u32 s0, $0xA;
	s2 =	sadd.s32 s3, s2  }
0x8d: {  	s2 =	sadd.s32 s2, s18  }
0x8e: {  	[smem:$0x3FC6] =	sst s2  }
0x8f: {  	_ = 	snop  }
0x90: {  	s2 =	sld [smem:$0x3FC9]  }
0x91: {  	s19 =	sld [smem:$0x3FC8]  }
0x92: {  	s4 =	sld [smem:$0x3FD0];
	(tm) =	ssettm $0x1  }
0x93: {  	s5 =	sld [smem:$0x3FFB];
	_ =	sdelay $0x3  }
0x94: {  	_ =	strace s5  }
0x95: {  	s5 =	sld [smem:$0x3FFC];
	_ =	sdelay $0x3  }
0x96: {  	_ =	strace s5  }
0x97: {  	s5 =	sld [smem:$0x3FFD];
	_ =	sdelay $0x3  }
0x98: {  	_ =	strace s5  }
0x99: {  	_ =	strace $0x8FFFFFFF  }
0x9a: {  	s20 =	sld [smem:$0x3FDB];
	_ =	sdelay $0x1  }
0x9b: {  	s6 =	simm.s32 $_scs_section_size  }
0x9c: {  	s7 =	simm.s32 $_size__tile_overlayer_lowered;
	s8 =	simm.s32 $_tile_overlayer_lowered  }
0x9d: {  	s23 =	simm.s32 $0x1BFF;
	s22 =	sshll.u32 s8, $0x1;
	s5 =	sadd.s32 s6, s20  }
0x9e: {  	s9 =	simm.s32 $0x0;
	s21 =	sshll.u32 s7, $0x1;
	s7 =	sadd.s32 s22, s5  }
0x9f: {  	[timem:s9], [sflag:s23] =	dma.local [hbm:s7], s21  }
0xa0: {  	_ =	swait.ge [sflag:s23], s21  }
0xa1: {  	s6 =	ssub.s32 $0x0, s21;
	[sflag:s23] =	ssyncset.done $0x0  }
0xa2: {  	[sflag:s23] =	ssyncadd.s32 s6;
	_ =	sdelay $0x1  }
0xa3: {  	s24 =	simm.s32 $0x1B8B  }
0xa4: {  	_ =	swait.ge [sflag:s24], $0x1  }
0xa5: {  	[sflag:s24] =	ssyncset.done $0x0  }
0xa6: {  	s25 =	simm.s32 $0x1B8E;
	[sflag:s24] =	ssyncadd.s32 $0xFFFFFFFF  }
0xa7: {  	s26 =	simm.s32 $execute0_lowered;
	[smem:$0x3FD2] =	sst s25  }
0xa8: {  	s6 =	sshll.u32 s26, $0x1;
	_ =	strace $0x80000046;
	[dreg:$0x1] =	wrdreg $0xFFFFFFFF  }
0xa9: {  	s28 =	simm.s32 $_size_execute0_lowered;
	s5 =	sadd.s32 s5, s6;
	[dreg:$0x0] =	wrdreg $0x0  }
0xaa: {  	s6 =	sshll.u32 s28, $0x1;
	[dreg:$0x2] =	wrdreg s5  }
0xab: {  	[dreg:$0x3] =	wrdreg s6  }
0xac: {  	[dreg:$0x4] =	wrdreg $0xC0  }
0xad: {  	_ =	task [dreg:s9], $0x5FFFF  }
0xae: {  	[dreg:$0x1] =	wrdreg $0xFFFFFFFF  }
0xaf: {  	[dreg:$0x0] =	wrdreg $0x60  }
0xb0: {  	[dreg:$0x2] =	wrdreg s2  }
0xb1: {  	[dreg:$0x3] =	wrdreg s19  }
0xb2: {  	[dreg:$0x4] =	wrdreg s4  }
0xb3: {  	[dreg:$0x5] =	wrdreg $0x9  }
0xb4: {  	_ =	task.clear_ibuf [dreg:s9], $0x6FFFF;
	_ =	strace $0x90000046  }
0xb5: {  	s29 =	simm.s32 $0x9;
	_ =	strace $0x80000048  }
0xb6: {  	_ =	swait.ge [sflag:s29], $0x1  }
0xb7: {  	[sflag:s29] =	ssyncadd.s32 $0xFFFFFFFF  }
0xb8: {  	_ =	strace $0x90000048  }
0xb9: {  	_ =	sfence  }
0xba: {  	s30 =	sld [smem:$0x0];
	_ =	sdelay $0x2  }
0xbb: {  	s31 =	sshll.u32 s1, $0xD;
	s1 =	sshrl.u32 s1, $0x2  }
0xbc: {  	s3 =	sand.u32 $0x4000, s31;
	s1 =	sadd.s32 s1, s30  }
0xbd: {  	s0 =	sor.u32 s3, s0;
	s1 =	sshll.u32 s1, $0x11  }
0xbe: {  	s0 =	sor.u32 s1, s0  }
0xbf: {  	s0 =	sadd.s32 $0x8F2B, s0  }
0xc0: {  	[sflag:s0] =	ssyncadd.remote.s32 $0x1  }
0xc1: {  	_ =	sfence.sel $0xFFFF  }
0xc2: {  	[dreg:$0x0] =	wrdreg $0xFFFFFFFF;
	(pc) =	sbr.abs _section_cstart, $3  }
0xc3: {  	[dreg:$0x1] =	wrdreg $0xFFFFFFFF  }
0xc4: {  	_ =	task.clear_ibuf [dreg:s9], $0x2FFFF;
	_ =	strace $0x9FFFFFFF  }
0xc5: {  	(tm) =	ssettm $0x7FFFFFFF  }
tec
execute0_lowered:
.L_overlay_start_1:
0x0: {  	(tag) =	ssettag $0x1  }
0x1: {  	s0 =	rddreg [dreg:$0x0]  }
0x2: {  	s1 =	rddreg [dreg:$0x1]  }
0x3: {  	s2 =	rddreg [dreg:$0x2];
	s3 =	simm.s32 $0x0;
	s4 =	srdreg.scid  }
0x4: {  	s10 =	stileid.u32;
	s13 =	simm.s32 $0x400;
	s17 =	simm.s32 $0x2400  }
0x5: {  	s23 =	simm.s32 $0xC400;
	s24 =	simm.s32 $0xCC00;
	s25 =	simm.s32 $0xD400  }
0x6: {  	s26 =	simm.s32 $0xDC00;
	s28 =	simm.s32 $0xEC00;
	s29 =	simm.s32 $0xF400  }
0x7: {  	s31 =	simm.s32 $0xFC00;
	s30 =	simm.s32 $0x8400;
	[smem:$0x7FF] =	sst s3  }
0x8: {  	s16 =	simm.s32 $0x1;
	_ =	strace $0x80000047;
	[dreg:$0x5] =	wrdreg s23  }
0x9: {  	s14 =	simm.s32 $0xF;
	s15 =	simm.s32 $0x10;
	[dreg:$0x6] =	wrdreg s24  }
0xa: {  	s4 =	sand.u32 $0x1, s4;
	s5 =	sshll.u32 s10, $0x1;
	[dreg:$0x7] =	wrdreg s25  }
0xb: {  	s6 =	sshll.u32 s10, $0x2;
	s19 =	sshll.u32 s10, $0x12;
	[dreg:$0x8] =	wrdreg s26  }
0xc: {  	s10 =	simm.s32 $0xA400;
	s5 =	sor.u32 s4, s5;
	[dreg:$0x9] =	wrdreg s28  }
0xd: {  	s7 =	ssub.s32 $0x2, s4;
	s6 =	sand.u32 $0x30, s6;
	[dreg:$0xa] =	wrdreg s29  }
0xe: {  	s20 =	sadd.s32 s19, s2;
	s21 =	sshll.u32 s4, $0x11;
	[dreg:$0xb] =	wrdreg s31  }
0xf: {  	s25 =	simm.s32 $0x6400;
	s19 =	simm.s32 $0x2;
	s23 =	simm.s32 $0x5  }
0x10: {  	s24 =	simm.s32 $0x6;
	s26 =	simm.s32 $0x8;
	s4 =	simm.s32 $0x0  }
0x11: {  	s8 =	sshll.u32 s5, $0x9;
	s9 =	sshrl.u32 s7, $0x1;
	s0 =	sadd.s32 s0, s6  }
0x12: {  	s18 =	sshll.u32 s5, $0x11;
	s5 =	sadd.s32 $0x100, s1;
	s6 =	sadd.s32 $0x200, s1  }
0x13: {  	s8 =	sand.u32 $0xE00, s8;
	s9 =	ssub.s32 s7, s9;
	s7 =	sadd.s32 $0x300, s1  }
0x14: {  	s0 =	sadd.s32 s8, s0;
	s22 =	smax.u32 s9, $0x1;
	s9 =	sadd.s32 s21, s20  }
0x15: {  	v0 =	vlaneseq.u32;
	s21 =	simm.s32 $0x4400;
	[dreg:$0xc] =	wrdreg s0;
	s0 =	sadd.s32 s18, s2  }
0x16: {  	v1 =	vshrl.u32 v0, $0x3;
	s20 =	simm.s32 $0x3;
	[dreg:$0xd] =	wrdreg s22;
	s0 =	sadd.s32 $0x1F800, s0  }
0x17: {  	vm0 =	vmmov $0xffff;
	v0 =	vand.u32 $0x7, v0;
	v1 =	vmul.u32 $0x8, v1;
	s18 =	simm.s32 $0xE400;
	s22 =	simm.s32 $0x4;
	[dreg:$0x4] =	wrdreg s0  }
.LBB2_1:
0x18: {  	s0 =	rddreg [dreg:$0xc]  }
0x19: {  	s2 =	simm.s32 $0x80;
	s8 =	simm.s32 $0x200;
	s31 =	simm.s32 $0x11  }
0x1a: {  	[tilespmem:s3], [sflag:$0x11] =	stream.strided.gather [hbm4b:s0+s2], $0x400, s8, s2, $0x38;
	[tilespmem:$0x10400] =	vst v63  }
0x1b: {  	_ =	swait.ge [sflag:s31], $0x400  }
0x1c: {  	[sflag:s31] =	ssyncset.done $0x0  }
0x1d: {  	[sflag:s31] =	ssyncadd.s32 $0xFFFFFC00  }
0x1e: {  	v2 =	vld.msk [tilespmem:$0x0], $0xff;
	_ =	sdelay $0x4  }
0x1f: {  	v3 =	vshll.u32 v2, $0x3  }
0x20: {  	v2 =	vand.u32 $0x7, v2;
	v3 =	vand.u32 $0xFFFFFFC0, v3  }
0x21: {  	v2 =	vor.u32 v2, v3  }
0x22: {  	v2 =	vperm.xlane v2, v0;
	_ =	sdelay $0x1  }
0x23: {  	v2 =	vadd.s32 v1, v2;
	_ =	sdelay $0x4  }
0x24: {  	[tilespmem:s13], [sflag:$0x1] =	stream.indirect_vreg.gather [hbm4b:s1+s3], $0x80, v2, vm0, $0xb8;
	[tilespmem:$0x10400] =	vst v63  }
0x25: {  	s2 =	simm.s32 $0xC00  }
0x26: {  	[tilespmem:s2], [sflag:$0x1] =	stream.indirect_vreg.gather [hbm4b:s5+s3], $0x80, v2, vm0, $0xb8;
	[tilespmem:$0x10400] =	vst v63  }
0x27: {  	s8 =	simm.s32 $0x1400  }
0x28: {  	[tilespmem:s8], [sflag:$0x1] =	stream.indirect_vreg.gather [hbm4b:s6+s3], $0x80, v2, vm0, $0xb8;
	[tilespmem:$0x10400] =	vst v63  }
0x29: {  	s11 =	simm.s32 $0x1C00  }
0x2a: {  	[tilespmem:s11], [sflag:$0x1] =	stream.indirect_vreg.gather [hbm4b:s7+s3], $0x80, v2, vm0, $0xb8;
	[tilespmem:$0x10400] =	vst v63  }
0x2b: {  	v2 =	vld.msk [tilespmem:$0x8], $0xff;
	_ =	sdelay $0x4  }
0x2c: {  	v3 =	vshll.u32 v2, $0x3  }
0x2d: {  	v2 =	vand.u32 $0x7, v2;
	v3 =	vand.u32 $0xFFFFFFC0, v3  }
0x2e: {  	v2 =	vor.u32 v2, v3  }
0x2f: {  	v2 =	vperm.xlane v2, v0;
	_ =	sdelay $0x1  }
0x30: {  	v2 =	vadd.s32 v1, v2;
	_ =	sdelay $0x4  }
0x31: {  	[tilespmem:s17], [sflag:$0x2] =	stream.indirect_vreg.gather [hbm4b:s1+s3], $0x80, v2, vm0, $0xb8;
	[tilespmem:$0x10400] =	vst v63  }
0x32: {  	s12 =	simm.s32 $0x2C00  }
0x33: {  	[tilespmem:s12], [sflag:$0x2] =	stream.indirect_vreg.gather [hbm4b:s5+s3], $0x80, v2, vm0, $0xb8;
	[tilespmem:$0x10400] =	vst v63  }
0x34: {  	s29 =	simm.s32 $0x3400  }
0x35: {  	[tilespmem:s29], [sflag:$0x2] =	stream.indirect_vreg.gather [hbm4b:s6+s3], $0x80, v2, vm0, $0xb8;
	[tilespmem:$0x10400] =	vst v63  }
0x36: {  	s31 =	simm.s32 $0x3C00  }
0x37: {  	[tilespmem:s31], [sflag:$0x2] =	stream.indirect_vreg.gather [hbm4b:s7+s3], $0x80, v2, vm0, $0xb8;
	[tilespmem:$0x10400] =	vst v63  }
0x38: {  	v2 =	vld.msk [tilespmem:$0x10], $0xff;
	_ =	sdelay $0x4  }
0x39: {  	v3 =	vshll.u32 v2, $0x3  }
0x3a: {  	v2 =	vand.u32 $0x7, v2;
	v3 =	vand.u32 $0xFFFFFFC0, v3  }
0x3b: {  	v2 =	vor.u32 v2, v3  }
0x3c: {  	v2 =	vperm.xlane v2, v0;
	_ =	sdelay $0x1  }
0x3d: {  	v2 =	vadd.s32 v1, v2;
	_ =	sdelay $0x4  }
0x3e: {  	[tilespmem:s21], [sflag:$0x3] =	stream.indirect_vreg.gather [hbm4b:s1+s3], $0x80, v2, vm0, $0xb8;
	[tilespmem:$0x10400] =	vst v63  }
0x3f: {  	s2 =	simm.s32 $0x4C00  }
0x40: {  	[tilespmem:s2], [sflag:$0x3] =	stream.indirect_vreg.gather [hbm4b:s5+s3], $0x80, v2, vm0, $0xb8;
	[tilespmem:$0x10400] =	vst v63  }
0x41: {  	s8 =	simm.s32 $0x5400  }
0x42: {  	[tilespmem:s8], [sflag:$0x3] =	stream.indirect_vreg.gather [hbm4b:s6+s3], $0x80, v2, vm0, $0xb8;
	[tilespmem:$0x10400] =	vst v63  }
0x43: {  	s11 =	simm.s32 $0x5C00  }
0x44: {  	[tilespmem:s11], [sflag:$0x3] =	stream.indirect_vreg.gather [hbm4b:s7+s3], $0x80, v2, vm0, $0xb8;
	[tilespmem:$0x10400] =	vst v63  }
0x45: {  	v2 =	vld.msk [tilespmem:$0x18], $0xff;
	_ =	sdelay $0x4  }
0x46: {  	v3 =	vshll.u32 v2, $0x3  }
0x47: {  	v2 =	vand.u32 $0x7, v2;
	v3 =	vand.u32 $0xFFFFFFC0, v3  }
0x48: {  	v2 =	vor.u32 v2, v3  }
0x49: {  	v2 =	vperm.xlane v2, v0;
	_ =	sdelay $0x1  }
0x4a: {  	v2 =	vadd.s32 v1, v2;
	_ =	sdelay $0x4  }
0x4b: {  	[tilespmem:s25], [sflag:$0x4] =	stream.indirect_vreg.gather [hbm4b:s1+s3], $0x80, v2, vm0, $0xb8;
	[tilespmem:$0x10400] =	vst v63  }
0x4c: {  	s12 =	simm.s32 $0x6C00  }
0x4d: {  	[tilespmem:s12], [sflag:$0x4] =	stream.indirect_vreg.gather [hbm4b:s5+s3], $0x80, v2, vm0, $0xb8;
	[tilespmem:$0x10400] =	vst v63  }
0x4e: {  	s29 =	simm.s32 $0x7400  }
0x4f: {  	[tilespmem:s29], [sflag:$0x4] =	stream.indirect_vreg.gather [hbm4b:s6+s3], $0x80, v2, vm0, $0xb8;
	[tilespmem:$0x10400] =	vst v63  }
0x50: {  	s31 =	simm.s32 $0x7C00  }
0x51: {  	[tilespmem:s31], [sflag:$0x4] =	stream.indirect_vreg.gather [hbm4b:s7+s3], $0x80, v2, vm0, $0xb8;
	[tilespmem:$0x10400] =	vst v63  }
0x52: {  	v2 =	vld.msk [tilespmem:$0x20], $0xff;
	_ =	sdelay $0x4  }
0x53: {  	v3 =	vshll.u32 v2, $0x3  }
0x54: {  	v2 =	vand.u32 $0x7, v2;
	v3 =	vand.u32 $0xFFFFFFC0, v3  }
0x55: {  	v2 =	vor.u32 v2, v3  }
0x56: {  	v2 =	vperm.xlane v2, v0;
	_ =	sdelay $0x1  }
0x57: {  	v2 =	vadd.s32 v1, v2;
	_ =	sdelay $0x4  }
0x58: {  	[tilespmem:s30], [sflag:$0x5] =	stream.indirect_vreg.gather [hbm4b:s1+s3], $0x80, v2, vm0, $0xb8;
	[tilespmem:$0x10400] =	vst v63  }
0x59: {  	s2 =	simm.s32 $0x8C00  }
0x5a: {  	[tilespmem:s2], [sflag:$0x5] =	stream.indirect_vreg.gather [hbm4b:s5+s3], $0x80, v2, vm0, $0xb8;
	[tilespmem:$0x10400] =	vst v63  }
0x5b: {  	s8 =	simm.s32 $0x9400  }
0x5c: {  	[tilespmem:s8], [sflag:$0x5] =	stream.indirect_vreg.gather [hbm4b:s6+s3], $0x80, v2, vm0, $0xb8;
	[tilespmem:$0x10400] =	vst v63  }
0x5d: {  	s11 =	simm.s32 $0x9C00  }
0x5e: {  	[tilespmem:s11], [sflag:$0x5] =	stream.indirect_vreg.gather [hbm4b:s7+s3], $0x80, v2, vm0, $0xb8;
	[tilespmem:$0x10400] =	vst v63  }
0x5f: {  	v2 =	vld.msk [tilespmem:$0x28], $0xff;
	_ =	sdelay $0x4  }
0x60: {  	v3 =	vshll.u32 v2, $0x3  }
0x61: {  	v2 =	vand.u32 $0x7, v2;
	v3 =	vand.u32 $0xFFFFFFC0, v3  }
0x62: {  	v2 =	vor.u32 v2, v3  }
0x63: {  	v2 =	vperm.xlane v2, v0;
	_ =	sdelay $0x1  }
0x64: {  	v2 =	vadd.s32 v1, v2;
	_ =	sdelay $0x4  }
0x65: {  	[tilespmem:s10], [sflag:$0x6] =	stream.indirect_vreg.gather [hbm4b:s1+s3], $0x80, v2, vm0, $0xb8;
	[tilespmem:$0x10400] =	vst v63  }
0x66: {  	s12 =	simm.s32 $0xAC00  }
0x67: {  	[tilespmem:s12], [sflag:$0x6] =	stream.indirect_vreg.gather [hbm4b:s5+s3], $0x80, v2, vm0, $0xb8;
	[tilespmem:$0x10400] =	vst v63  }
0x68: {  	s28 =	simm.s32 $0x0;
	s29 =	simm.s32 $0xB400  }
0x69: {  	[tilespmem:s29], [sflag:$0x6] =	stream.indirect_vreg.gather [hbm4b:s6+s3], $0x80, v2, vm0, $0xb8;
	[tilespmem:$0x10400] =	vst v63  }
0x6a: {  	s31 =	simm.s32 $0xBC00;
	s8 =	simm.s32 $0xFFFFFFF8;
	s12 =	simm.s32 $0x38  }
0x6b: {  	[tilespmem:s31], [sflag:$0x6] =	stream.indirect_vreg.gather [hbm4b:s7+s3], $0x80, v2, vm0, $0xb8;
	[tilespmem:$0x10400] =	vst v63  }
.LBB2_2:
0x6c: {  	p0 =	sgt.u32 s8, $0x77  }
0x6d: {  	s29 =	simm.s32 @!p0 $0xF  }
0x6e: {  	_ =	swait.ge @!p0 [sflag:s29], $0x2000  }
0x6f: {  	[sflag:s29] =	ssyncset.done @!p0 $0x0  }
0x70: {  	[sflag:s29] =	ssyncadd.s32 @!p0 $0xFFFFE000  }
0x71: {  	v2 =	vld.msk [tilespmem:s12+$0xFFFFFFF8], $0xff;
	_ =	sdelay $0x4  }
0x72: {  	v3 =	vshll.u32 v2, $0x3  }
0x73: {  	v2 =	vand.u32 $0x7, v2;
	v3 =	vand.u32 $0xFFFFFFC0, v3  }
0x74: {  	v2 =	vor.u32 v2, v3  }
0x75: {  	v2 =	vperm.xlane v2, v0;
	_ =	sdelay $0x1  }
0x76: {  	v2 =	vadd.s32 v1, v2;
	_ =	sdelay $0x3  }
0x77: {  	s2 =	rddreg [dreg:$0x5]  }
0x78: {  	[tilespmem:s2], [sflag:$0x7] =	stream.indirect_vreg.gather [hbm4b:s1+s3], $0x80, v2, vm0, $0xb8;
	[tilespmem:$0x10400] =	vst v63  }
0x79: {  	s31 =	rddreg [dreg:$0x6]  }
0x7a: {  	[tilespmem:s31], [sflag:$0x7] =	stream.indirect_vreg.gather [hbm4b:s5+s3], $0x80, v2, vm0, $0xb8;
	[tilespmem:$0x10400] =	vst v63  }
0x7b: {  	s11 =	rddreg [dreg:$0x7]  }
0x7c: {  	[tilespmem:s11], [sflag:$0x7] =	stream.indirect_vreg.gather [hbm4b:s6+s3], $0x80, v2, vm0, $0xb8;
	[tilespmem:$0x10400] =	vst v63  }
0x7d: {  	s0 =	rddreg [dreg:$0x8]  }
0x7e: {  	[tilespmem:s0], [sflag:$0x7] =	stream.indirect_vreg.gather [hbm4b:s7+s3], $0x80, v2, vm0, $0xb8;
	[tilespmem:$0x10400] =	vst v63  }
0x7f: {  	_ =	swait.ge [sflag:s16], $0x2000  }
0x80: {  	p0 =	seq.s32 s28, $0x0;
	[sflag:s16] =	ssyncset.done $0x0  }
0x81: {  	s29 =	sadd.s32 s28, s9;
	s31 =	simm.s32 @!p0 $0x10;
	[sflag:s16] =	ssyncadd.s32 $0xFFFFE000  }
0x82: {  	[hbm4b:s29+s3] =	stream.linear.scatter [tilespmem:s13], [sflag:$0x9], $0x2000, $0x38;
	[tilespmem:$0x10400] =	vst v63  }
0x83: {  	_ =	swait.ge @!p0 [sflag:s31], $0x2000  }
0x84: {  	[sflag:s31] =	ssyncset.done @!p0 $0x0  }
0x85: {  	[sflag:s31] =	ssyncadd.s32 @!p0 $0xFFFFE000  }
0x86: {  	v2 =	vld.msk [tilespmem:s12+$0x0], $0xff;
	_ =	sdelay $0x4  }
0x87: {  	v3 =	vshll.u32 v2, $0x3  }
0x88: {  	v2 =	vand.u32 $0x7, v2;
	v3 =	vand.u32 $0xFFFFFFC0, v3  }
0x89: {  	v2 =	vor.u32 v2, v3  }
0x8a: {  	v2 =	vperm.xlane v2, v0;
	_ =	sdelay $0x1  }
0x8b: {  	v2 =	vadd.s32 v1, v2;
	_ =	sdelay $0x4  }
0x8c: {  	[tilespmem:s18], [sflag:$0x8] =	stream.indirect_vreg.gather [hbm4b:s1+s3], $0x80, v2, vm0, $0xb8;
	[tilespmem:$0x10400] =	vst v63  }
0x8d: {  	s2 =	rddreg [dreg:$0x9]  }
0x8e: {  	[tilespmem:s2], [sflag:$0x8] =	stream.indirect_vreg.gather [hbm4b:s5+s3], $0x80, v2, vm0, $0xb8;
	[tilespmem:$0x10400] =	vst v63  }
0x8f: {  	s0 =	rddreg [dreg:$0xa]  }
0x90: {  	[tilespmem:s0], [sflag:$0x8] =	stream.indirect_vreg.gather [hbm4b:s6+s3], $0x80, v2, vm0, $0xb8;
	[tilespmem:$0x10400] =	vst v63  }
0x91: {  	s11 =	rddreg [dreg:$0xb]  }
0x92: {  	[tilespmem:s11], [sflag:$0x8] =	stream.indirect_vreg.gather [hbm4b:s7+s3], $0x80, v2, vm0, $0xb8;
	[tilespmem:$0x10400] =	vst v63  }
0x93: {  	_ =	swait.ge [sflag:s19], $0x2000  }
0x94: {  	p0 =	seq.s32 s28, $0x1E000;
	[sflag:s19] =	ssyncset.done $0x0  }
0x95: {  	s31 =	sadd.s32 $0x400, s29;
	s0 =	simm.s32 @!p0 $0x9;
	[sflag:s19] =	ssyncadd.s32 $0xFFFFE000  }
0x96: {  	[hbm4b:s31+s3] =	stream.linear.scatter [tilespmem:s17], [sflag:$0xA], $0x2000, $0x38;
	[tilespmem:$0x10400] =	vst v63  }
0x97: {  	_ =	swait.ge @!p0 [sflag:s0], $0x2000  }
0x98: {  	[sflag:s0] =	ssyncset.done @!p0 $0x0  }
0x99: {  	[sflag:s0] =	ssyncadd.s32 @!p0 $0xFFFFE000  }
0x9a: {  	v2 =	vld.msk @!p0 [tilespmem:s12+$0x8], $0xff;
	_ =	sdelay $0x4  }
0x9b: {  	v3 =	vshll.u32 @!p0 v2, $0x3  }
0x9c: {  	v4 =	vlaneseq.u32 @!p0;
	v2 =	vand.u32 @!p0 $0x7, v2;
	v3 =	vand.u32 @!p0 $0xFFFFFFC0, v3  }
0x9d: {  	v3 =	vor.u32 @!p0 v2, v3;
	v2 =	vand.u32 @!p0 $0x7, v4;
	v4 =	vshrl.u32 @!p0 v4, $0x3  }
0x9e: {  	v5 =	vperm.xlane @!p0 v3, v2;
	v3 =	vmul.u32 @!p0 $0x8, v4;
	_ =	sdelay $0x1  }
0x9f: {  	v4 =	vadd.s32 @!p0 v3, v5;
	_ =	sdelay $0x3  }
0xa0: {  	vm1 =	vmmov @!p0 $0xffff;
	s31 =	simm.s32 @!p0 $0x0;
	s0 =	simm.s32 @!p0 $0x400  }
0xa1: {  	[tilespmem:s0], [sflag:$0x1] =	stream.indirect_vreg.gather @!p0 [hbm4b:s1+s31], $0x80, v4, vm1, $0xb8;
	[tilespmem:$0x10400] =	vst v63  }
0xa2: {  	s0 =	simm.s32 @!p0 $0xC00  }
0xa3: {  	[tilespmem:s0], [sflag:$0x1] =	stream.indirect_vreg.gather @!p0 [hbm4b:s5+s31], $0x80, v4, vm1, $0xb8;
	[tilespmem:$0x10400] =	vst v63  }
0xa4: {  	s0 =	simm.s32 @!p0 $0x1400  }
0xa5: {  	[tilespmem:s0], [sflag:$0x1] =	stream.indirect_vreg.gather @!p0 [hbm4b:s6+s31], $0x80, v4, vm1, $0xb8;
	[tilespmem:$0x10400] =	vst v63  }
0xa6: {  	s0 =	simm.s32 @!p0 $0x1C00  }
0xa7: {  	[tilespmem:s0], [sflag:$0x1] =	stream.indirect_vreg.gather @!p0 [hbm4b:s7+s31], $0x80, v4, vm1, $0xb8;
	[tilespmem:$0x10400] =	vst v63  }
0xa8: {  	_ =	swait.ge [sflag:s20], $0x2000  }
0xa9: {  	[sflag:s20] =	ssyncset.done $0x0  }
0xaa: {  	s2 =	sadd.s32 $0x800, s29;
	s0 =	simm.s32 @!p0 $0xA;
	[sflag:s20] =	ssyncadd.s32 $0xFFFFE000  }
0xab: {  	[hbm4b:s2+s3] =	stream.linear.scatter [tilespmem:s21], [sflag:$0xB], $0x2000, $0x38;
	[tilespmem:$0x10400] =	vst v63  }
0xac: {  	_ =	swait.ge @!p0 [sflag:s0], $0x2000  }
0xad: {  	[sflag:s0] =	ssyncset.done @!p0 $0x0  }
0xae: {  	[sflag:s0] =	ssyncadd.s32 @!p0 $0xFFFFE000  }
0xaf: {  	v4 =	vld.msk @!p0 [tilespmem:s12+$0x10], $0xff;
	_ =	sdelay $0x4  }
0xb0: {  	v5 =	vshll.u32 @!p0 v4, $0x3  }
0xb1: {  	v4 =	vand.u32 @!p0 $0x7, v4;
	v5 =	vand.u32 @!p0 $0xFFFFFFC0, v5  }
0xb2: {  	v4 =	vor.u32 @!p0 v4, v5  }
0xb3: {  	v4 =	vperm.xlane @!p0 v4, v2;
	_ =	sdelay $0x1  }
0xb4: {  	v4 =	vadd.s32 @!p0 v3, v4;
	_ =	sdelay $0x3  }
0xb5: {  	s0 =	simm.s32 @!p0 $0x2400  }
0xb6: {  	[tilespmem:s0], [sflag:$0x2] =	stream.indirect_vreg.gather @!p0 [hbm4b:s1+s31], $0x80, v4, vm1, $0xb8;
	[tilespmem:$0x10400] =	vst v63  }
0xb7: {  	s0 =	simm.s32 @!p0 $0x2C00  }
0xb8: {  	[tilespmem:s0], [sflag:$0x2] =	stream.indirect_vreg.gather @!p0 [hbm4b:s5+s31], $0x80, v4, vm1, $0xb8;
	[tilespmem:$0x10400] =	vst v63  }
0xb9: {  	s0 =	simm.s32 @!p0 $0x3400  }
0xba: {  	[tilespmem:s0], [sflag:$0x2] =	stream.indirect_vreg.gather @!p0 [hbm4b:s6+s31], $0x80, v4, vm1, $0xb8;
	[tilespmem:$0x10400] =	vst v63  }
0xbb: {  	s0 =	simm.s32 @!p0 $0x3C00  }
0xbc: {  	[tilespmem:s0], [sflag:$0x2] =	stream.indirect_vreg.gather @!p0 [hbm4b:s7+s31], $0x80, v4, vm1, $0xb8;
	[tilespmem:$0x10400] =	vst v63  }
0xbd: {  	_ =	swait.ge [sflag:s22], $0x2000  }
0xbe: {  	[sflag:s22] =	ssyncset.done $0x0  }
0xbf: {  	s11 =	sadd.s32 $0xC00, s29;
	s0 =	simm.s32 @!p0 $0xB;
	[sflag:s22] =	ssyncadd.s32 $0xFFFFE000  }
0xc0: {  	[hbm4b:s11+s3] =	stream.linear.scatter [tilespmem:s25], [sflag:$0xC], $0x2000, $0x38;
	[tilespmem:$0x10400] =	vst v63  }
0xc1: {  	_ =	swait.ge @!p0 [sflag:s0], $0x2000  }
0xc2: {  	[sflag:s0] =	ssyncset.done @!p0 $0x0  }
0xc3: {  	[sflag:s0] =	ssyncadd.s32 @!p0 $0xFFFFE000  }
0xc4: {  	v4 =	vld.msk @!p0 [tilespmem:s12+$0x18], $0xff;
	_ =	sdelay $0x4  }
0xc5: {  	v5 =	vshll.u32 @!p0 v4, $0x3  }
0xc6: {  	v4 =	vand.u32 @!p0 $0x7, v4;
	v5 =	vand.u32 @!p0 $0xFFFFFFC0, v5  }
0xc7: {  	v4 =	vor.u32 @!p0 v4, v5  }
0xc8: {  	v4 =	vperm.xlane @!p0 v4, v2;
	_ =	sdelay $0x1  }
0xc9: {  	v4 =	vadd.s32 @!p0 v3, v4;
	_ =	sdelay $0x3  }
0xca: {  	s0 =	simm.s32 @!p0 $0x4400  }
0xcb: {  	[tilespmem:s0], [sflag:$0x3] =	stream.indirect_vreg.gather @!p0 [hbm4b:s1+s31], $0x80, v4, vm1, $0xb8;
	[tilespmem:$0x10400] =	vst v63  }
0xcc: {  	s0 =	simm.s32 @!p0 $0x4C00  }
0xcd: {  	[tilespmem:s0], [sflag:$0x3] =	stream.indirect_vreg.gather @!p0 [hbm4b:s5+s31], $0x80, v4, vm1, $0xb8;
	[tilespmem:$0x10400] =	vst v63  }
0xce: {  	s0 =	simm.s32 @!p0 $0x5400  }
0xcf: {  	[tilespmem:s0], [sflag:$0x3] =	stream.indirect_vreg.gather @!p0 [hbm4b:s6+s31], $0x80, v4, vm1, $0xb8;
	[tilespmem:$0x10400] =	vst v63  }
0xd0: {  	s0 =	simm.s32 @!p0 $0x5C00  }
0xd1: {  	[tilespmem:s0], [sflag:$0x3] =	stream.indirect_vreg.gather @!p0 [hbm4b:s7+s31], $0x80, v4, vm1, $0xb8;
	[tilespmem:$0x10400] =	vst v63  }
0xd2: {  	_ =	swait.ge [sflag:s23], $0x2000  }
0xd3: {  	[sflag:s23] =	ssyncset.done $0x0  }
0xd4: {  	s2 =	sadd.s32 $0x1000, s29;
	s0 =	simm.s32 @!p0 $0xC;
	[sflag:s23] =	ssyncadd.s32 $0xFFFFE000  }
0xd5: {  	[hbm4b:s2+s3] =	stream.linear.scatter [tilespmem:s30], [sflag:$0xD], $0x2000, $0x38;
	[tilespmem:$0x10400] =	vst v63  }
0xd6: {  	_ =	swait.ge @!p0 [sflag:s0], $0x2000  }
0xd7: {  	[sflag:s0] =	ssyncset.done @!p0 $0x0  }
0xd8: {  	[sflag:s0] =	ssyncadd.s32 @!p0 $0xFFFFE000  }
0xd9: {  	v4 =	vld.msk @!p0 [tilespmem:s12+$0x20], $0xff;
	_ =	sdelay $0x4  }
0xda: {  	v5 =	vshll.u32 @!p0 v4, $0x3  }
0xdb: {  	v4 =	vand.u32 @!p0 $0x7, v4;
	v5 =	vand.u32 @!p0 $0xFFFFFFC0, v5  }
0xdc: {  	v4 =	vor.u32 @!p0 v4, v5  }
0xdd: {  	v4 =	vperm.xlane @!p0 v4, v2;
	_ =	sdelay $0x1  }
0xde: {  	v4 =	vadd.s32 @!p0 v3, v4;
	_ =	sdelay $0x3  }
0xdf: {  	s0 =	simm.s32 @!p0 $0x6400  }
0xe0: {  	[tilespmem:s0], [sflag:$0x4] =	stream.indirect_vreg.gather @!p0 [hbm4b:s1+s31], $0x80, v4, vm1, $0xb8;
	[tilespmem:$0x10400] =	vst v63  }
0xe1: {  	s0 =	simm.s32 @!p0 $0x6C00  }
0xe2: {  	[tilespmem:s0], [sflag:$0x4] =	stream.indirect_vreg.gather @!p0 [hbm4b:s5+s31], $0x80, v4, vm1, $0xb8;
	[tilespmem:$0x10400] =	vst v63  }
0xe3: {  	s0 =	simm.s32 @!p0 $0x7400  }
0xe4: {  	[tilespmem:s0], [sflag:$0x4] =	stream.indirect_vreg.gather @!p0 [hbm4b:s6+s31], $0x80, v4, vm1, $0xb8;
	[tilespmem:$0x10400] =	vst v63  }
0xe5: {  	s0 =	simm.s32 @!p0 $0x7C00  }
0xe6: {  	[tilespmem:s0], [sflag:$0x4] =	stream.indirect_vreg.gather @!p0 [hbm4b:s7+s31], $0x80, v4, vm1, $0xb8;
	[tilespmem:$0x10400] =	vst v63  }
0xe7: {  	_ =	swait.ge [sflag:s24], $0x2000  }
0xe8: {  	[sflag:s24] =	ssyncset.done $0x0  }
0xe9: {  	s11 =	sadd.s32 $0x1400, s29;
	s0 =	simm.s32 @p0 $0x7;
	[sflag:s24] =	ssyncadd.s32 $0xFFFFE000  }
0xea: {  	[hbm4b:s11+s3] =	stream.linear.scatter [tilespmem:s10], [sflag:$0xE], $0x2000, $0x38;
	[tilespmem:$0x10400] =	vst v63  }
0xeb: {  	_ =	swait.ge @p0 [sflag:s0], $0x2000  }
0xec: {  	s11 =	simm.s32 @p0 $0xC400;
	[sflag:s0] =	ssyncset.done @p0 $0x0  }
0xed: {  	s2 =	rddreg [dreg:$0x4];
	[sflag:s0] =	ssyncadd.s32 @p0 $0xFFFFE000;
	s0 =	simm.s32 @p0 $0x0  }
0xee: {  	[hbm4b:s2+s0] =	stream.linear.scatter @p0 [tilespmem:s11], [sflag:$0xF], $0x2000, $0x38;
	[tilespmem:$0x10400] =	vst v63  }
0xef: {  	s0 =	simm.s32 @!p0 $0xD  }
0xf0: {  	_ =	swait.ge @!p0 [sflag:s0], $0x2000  }
0xf1: {  	[sflag:s0] =	ssyncset.done @!p0 $0x0  }
0xf2: {  	[sflag:s0] =	ssyncadd.s32 @!p0 $0xFFFFE000  }
0xf3: {  	v4 =	vld.msk @!p0 [tilespmem:s12+$0x28], $0xff;
	_ =	sdelay $0x4  }
0xf4: {  	v5 =	vshll.u32 @!p0 v4, $0x3  }
0xf5: {  	v4 =	vand.u32 @!p0 $0x7, v4;
	v5 =	vand.u32 @!p0 $0xFFFFFFC0, v5  }
0xf6: {  	v4 =	vor.u32 @!p0 v4, v5  }
0xf7: {  	v4 =	vperm.xlane @!p0 v4, v2;
	_ =	sdelay $0x1  }
0xf8: {  	v4 =	vadd.s32 @!p0 v3, v4;
	_ =	sdelay $0x3  }
0xf9: {  	s0 =	simm.s32 @!p0 $0x8400  }
0xfa: {  	[tilespmem:s0], [sflag:$0x5] =	stream.indirect_vreg.gather @!p0 [hbm4b:s1+s31], $0x80, v4, vm1, $0xb8;
	[tilespmem:$0x10400] =	vst v63  }
0xfb: {  	s0 =	simm.s32 @!p0 $0x8C00  }
0xfc: {  	[tilespmem:s0], [sflag:$0x5] =	stream.indirect_vreg.gather @!p0 [hbm4b:s5+s31], $0x80, v4, vm1, $0xb8;
	[tilespmem:$0x10400] =	vst v63  }
0xfd: {  	s0 =	simm.s32 @!p0 $0x9400  }
0xfe: {  	[tilespmem:s0], [sflag:$0x5] =	stream.indirect_vreg.gather @!p0 [hbm4b:s6+s31], $0x80, v4, vm1, $0xb8;
	[tilespmem:$0x10400] =	vst v63  }
0xff: {  	s0 =	simm.s32 @!p0 $0x9C00  }
0x100: {  	[tilespmem:s0], [sflag:$0x5] =	stream.indirect_vreg.gather @!p0 [hbm4b:s7+s31], $0x80, v4, vm1, $0xb8;
	[tilespmem:$0x10400] =	vst v63  }
0x101: {  	s0 =	simm.s32 @!p0 $0x7  }
0x102: {  	_ =	swait.ge @!p0 [sflag:s0], $0x2000  }
0x103: {  	s2 =	sadd.s32 @!p0 s28, s9;
	[sflag:s0] =	ssyncset.done @!p0 $0x0  }
0x104: {  	[sflag:s0] =	ssyncadd.s32 @!p0 $0xFFFFE000;
	s0 =	sadd.s32 @!p0 $0x1800, s2;
	s2 =	simm.s32 @!p0 $0xC400  }
0x105: {  	[hbm4b:s0+s31] =	stream.linear.scatter @!p0 [tilespmem:s2], [sflag:$0xF], $0x2000, $0x38;
	[tilespmem:$0x10400] =	vst v63  }
0x106: {  	s0 =	simm.s32 @!p0 $0xE  }
0x107: {  	_ =	swait.ge @!p0 [sflag:s0], $0x2000  }
0x108: {  	[sflag:s0] =	ssyncset.done @!p0 $0x0  }
0x109: {  	[sflag:s0] =	ssyncadd.s32 @!p0 $0xFFFFE000  }
0x10a: {  	v4 =	vld.msk @!p0 [tilespmem:s12+$0x30], $0xff;
	_ =	sdelay $0x4  }
0x10b: {  	v5 =	vshll.u32 @!p0 v4, $0x3  }
0x10c: {  	v4 =	vand.u32 @!p0 $0x7, v4;
	v5 =	vand.u32 @!p0 $0xFFFFFFC0, v5  }
0x10d: {  	v4 =	vor.u32 @!p0 v4, v5  }
0x10e: {  	v2 =	vperm.xlane @!p0 v4, v2;
	_ =	sdelay $0x1  }
0x10f: {  	v2 =	vadd.s32 @!p0 v3, v2;
	_ =	sdelay $0x3  }
0x110: {  	s0 =	simm.s32 @!p0 $0xA400  }
0x111: {  	[tilespmem:s0], [sflag:$0x6] =	stream.indirect_vreg.gather @!p0 [hbm4b:s1+s31], $0x80, v2, vm1, $0xb8;
	[tilespmem:$0x10400] =	vst v63  }
0x112: {  	s0 =	simm.s32 @!p0 $0xAC00  }
0x113: {  	[tilespmem:s0], [sflag:$0x6] =	stream.indirect_vreg.gather @!p0 [hbm4b:s5+s31], $0x80, v2, vm1, $0xb8;
	[tilespmem:$0x10400] =	vst v63  }
0x114: {  	s0 =	simm.s32 @!p0 $0xB400  }
0x115: {  	[tilespmem:s0], [sflag:$0x6] =	stream.indirect_vreg.gather @!p0 [hbm4b:s6+s31], $0x80, v2, vm1, $0xb8;
	[tilespmem:$0x10400] =	vst v63  }
0x116: {  	s28 =	sadd.s32 $0x2000, s28;
	s0 =	simm.s32 @!p0 $0xBC00  }
0x117: {  	[tilespmem:s0], [sflag:$0x6] =	stream.indirect_vreg.gather @!p0 [hbm4b:s7+s31], $0x80, v2, vm1, $0xb8;
	[tilespmem:$0x10400] =	vst v63  }
0x118: {  	p0 =	sne.s32 s28, $0x20000  }
.Ltmp0:
0x119: {  	_ = 	snop;
	(pc) =	sbr.rel @p0 .LBB2_2-.Ltmp0, $4  }
0x11a: {  	_ =	swait.ge [sflag:s26], $0x2000  }
0x11b: {  	s8 =	sadd.s32 $0x8, s8;
	[sflag:s26] =	ssyncset.done $0x0  }
0x11c: {  	s12 =	sadd.s32 $0x40, s12;
	s31 =	sadd.s32 $0x1C00, s29;
	[sflag:s26] =	ssyncadd.s32 $0xFFFFE000  }
0x11d: {  	[hbm4b:s31+s3] =	stream.linear.scatter [tilespmem:s18], [sflag:$0x10], $0x2000, $0x38;
	[tilespmem:$0x10400] =	vst v63  }
0x11e: {  	s0 =	simm.s32 $0x9  }
0x11f: {  	_ =	swait.ge [sflag:s0], $0x2000  }
0x120: {  	[sflag:s0] =	ssyncset.done $0x0  }
0x121: {  	s8 =	simm.s32 $0xA;
	[sflag:s0] =	ssyncadd.s32 $0xFFFFE000  }
0x122: {  	_ =	swait.ge [sflag:s8], $0x2000  }
0x123: {  	[sflag:s8] =	ssyncset.done $0x0  }
0x124: {  	s11 =	simm.s32 $0xB;
	[sflag:s8] =	ssyncadd.s32 $0xFFFFE000  }
0x125: {  	_ =	swait.ge [sflag:s11], $0x2000  }
0x126: {  	[sflag:s11] =	ssyncset.done $0x0  }
0x127: {  	s12 =	simm.s32 $0xC;
	[sflag:s11] =	ssyncadd.s32 $0xFFFFE000  }
0x128: {  	_ =	swait.ge [sflag:s12], $0x2000  }
0x129: {  	[sflag:s12] =	ssyncset.done $0x0  }
0x12a: {  	s28 =	simm.s32 $0xD;
	[sflag:s12] =	ssyncadd.s32 $0xFFFFE000  }
0x12b: {  	_ =	swait.ge [sflag:s28], $0x2000  }
0x12c: {  	[sflag:s28] =	ssyncset.done $0x0  }
0x12d: {  	s29 =	simm.s32 $0xE;
	[sflag:s28] =	ssyncadd.s32 $0xFFFFE000  }
0x12e: {  	_ =	swait.ge [sflag:s29], $0x2000  }
0x12f: {  	[sflag:s29] =	ssyncset.done $0x0  }
0x130: {  	[sflag:s29] =	ssyncadd.s32 $0xFFFFE000  }
0x131: {  	_ =	swait.ge [sflag:s14], $0x2000  }
0x132: {  	[sflag:s14] =	ssyncset.done $0x0  }
0x133: {  	[sflag:s14] =	ssyncadd.s32 $0xFFFFE000  }
0x134: {  	_ =	swait.ge [sflag:s15], $0x2000  }
0x135: {  	s4 =	sadd.s32 $0x1, s4;
	s31 =	rddreg [dreg:$0xd]  }
0x136: {  	p0 =	sne.s32 s4, s31  }
.Ltmp1:
0x137: {  	_ = 	snop;
	(pc) =	sbr.rel @p0 .LBB2_1-.Ltmp1, $3  }
0x138: {  	_ =	sdelay $0x1  }
0x139: {  	[sflag:s15] =	ssyncset.done $0x0  }
0x13a: {  	[sflag:s15] =	ssyncadd.s32 $0xFFFFE000  }
0x13b: {  	_ =	sfence.sel $0x180000  }
0x13c: {  	[bflag:$0x0] =	sbarrier.arrive $0xFFFF  }
0x13d: {  	_ =	strace $0x90000047  }
0x13e: {  	s0 =	stileid.u32;
	[bflag:$0x2] =	sbarrier.arrive $0xFFFF  }
0x13f: {  	p0 =	sne.s32 s0, $0x0;
	s0 =	rddreg [dreg:$0x3]  }
0x140: {  	s0 =	sadd.s32 @!p0 $0x100000, s0  }
0x141: {  	[sflag:s0] =	ssyncadd.tile.s32 @!p0 $0x1;
	_ =	shalt  }
.Lfunc_end2:
_tile_overlayer_lowered:
.L_overlay_start_2:
0x142: {  	(tag) =	ssettag $0x2  }
0x143: {  	s0 =	rddreg [dreg:$0x0];
	s2 =	stileid.u32  }
0x144: {  	s1 =	rddreg [dreg:$0x1];
	p0 =	sne.s32 s2, $0x0  }
0x145: {  	s3 =	rddreg [dreg:$0x2];
	[bflag:$0x3] =	sbarrier.arrive $0xFFFF;
	s2 =	simm.s32 @!p0 $0x1C11  }
0x146: {  	[timem:s3], [sflag:s2] =	dma.local @!p0 [hbm:s0], s1  }
0x147: {  	s0 =	simm.s32 @!p0 $0x11  }
0x148: {  	_ =	swait.ge @!p0 [sflag:s0], s1  }
0x149: {  	s1 =	ssub.s32 @!p0 $0x0, s1;
	[sflag:s0] =	ssyncset.done @!p0 $0x0  }
0x14a: {  	[sflag:s0] =	ssyncadd.s32 @!p0 s1  }
0x14b: {  	[bflag:$0x3] =	sbarrier.arrive $0xFFFF  }
0x14c: {  	_ =	shalt  }

</sc_bundles>
